<compile_context>
chip_gen: v7x
topology: tpu7x:2x2x1
jax: 0.10.2.dev20260603
libtpu: 0.0.44.dev20260713+nightly
codegen_flags: <defaults>
</compile_context>

<pallas_src>
import functools

import jax
import jax.numpy as jnp
from jax import lax
from jax.experimental import pallas as pl
from jax.experimental.pallas import tpu as pltpu
from jax.experimental.pallas import tpu_sc as plsc

_EXTRA_FRAMES = (1, 3, 5, 7)
_SHARED_TEACHER = (2, 4, 6)
_SHARED_STUDENT = (1, 2, 3)
_TOPK = 4
_EPS = 1e-8


def _dot3(a, b, dims):
    ah = a.astype(jnp.bfloat16)
    al = (a - ah.astype(jnp.float32)).astype(jnp.bfloat16)
    bh = b.astype(jnp.bfloat16)
    bl = (b - bh.astype(jnp.float32)).astype(jnp.bfloat16)
    d = functools.partial(
        lax.dot_general, dimension_numbers=dims,
        preferred_element_type=jnp.float32)
    return d(ah, bl) + d(al, bh) + d(ah, bh)


def _sc_gather_rows(table, idx, per=None):
    n, d = table.shape
    m = idx.shape[0]
    info = plsc.get_sparse_core_info()
    nw = info.num_cores * info.num_subcores
    if per is None:
        per = m // nw
    assert per % 8 == 0 and m % per == 0
    n_active = m // per

    mesh = plsc.VectorSubcoreMesh(core_axis_name="c", subcore_axis_name="s")

    @functools.partial(
        pl.kernel,
        mesh=mesh,
        out_type=jax.ShapeDtypeStruct((m, d), jnp.float32),
        scratch_types=[
            pltpu.VMEM((per,), jnp.int32),
            pltpu.VMEM((per, d), jnp.float32),
            pltpu.SemaphoreType.DMA,
        ],
    )
    def gather_kernel(table_hbm, idx_hbm, out_hbm, idx_v, rows_v, sem):
        wid = lax.axis_index("s") * info.num_cores + lax.axis_index("c")

        @pl.when(wid < n_active)
        def _():
            base = wid * per
            pltpu.sync_copy(idx_hbm.at[pl.ds(base, per)], idx_v)
            pltpu.async_copy(table_hbm.at[idx_v], rows_v, sem).wait()
            pltpu.sync_copy(rows_v, out_hbm.at[pl.ds(base, per)])

    return gather_kernel(table, idx)


def _sc_gather_two(table_a, idx_a, table_b, idx_b):
    d = table_a.shape[1]
    ma, mb = idx_a.shape[0], idx_b.shape[0]
    info = plsc.get_sparse_core_info()
    nw = info.num_cores * info.num_subcores
    per_a, per_b = 16, mb // nw
    assert ma % per_a == 0 and per_b % 8 == 0 and mb % nw == 0
    na = ma // per_a

    mesh = plsc.VectorSubcoreMesh(core_axis_name="c", subcore_axis_name="s")

    @functools.partial(
        pl.kernel,
        mesh=mesh,
        out_type=(jax.ShapeDtypeStruct((ma, d), jnp.float32),
                  jax.ShapeDtypeStruct((mb, d), jnp.float32)),
        scratch_types=[
            pltpu.VMEM((per_a,), jnp.int32),
            pltpu.VMEM((per_a, d), jnp.float32),
            pltpu.VMEM((per_b,), jnp.int32),
            pltpu.VMEM((per_b, d), jnp.float32),
            pltpu.SemaphoreType.DMA,
        ],
    )
    def gather_kernel(ta_hbm, ia_hbm, tb_hbm, ib_hbm, oa_hbm, ob_hbm,
                      ia_v, ra_v, ib_v, rb_v, sem):
        wid = lax.axis_index("s") * info.num_cores + lax.axis_index("c")

        @pl.when(wid < na)
        def _():
            base = wid * per_a
            pltpu.sync_copy(ia_hbm.at[pl.ds(base, per_a)], ia_v)
            pltpu.async_copy(ta_hbm.at[ia_v], ra_v, sem).wait()
            pltpu.sync_copy(ra_v, oa_hbm.at[pl.ds(base, per_a)])

        base_b = wid * per_b
        pltpu.sync_copy(ib_hbm.at[pl.ds(base_b, per_b)], ib_v)
        pltpu.async_copy(tb_hbm.at[ib_v], rb_v, sem).wait()
        pltpu.sync_copy(rb_v, ob_hbm.at[pl.ds(base_b, per_b)])

    return gather_kernel(table_a, idx_a, table_b, idx_b)


def _sim_topk(teacher_feats, reft):
    b_sz, vt, p, d = teacher_feats.shape
    r = reft.shape[1]
    br = b_sz * r
    n_extra = len(_EXTRA_FRAMES)
    fp = n_extra * p

    def body(tf_ref, reft_ref, idx_out, sim_s):
        f = pl.program_id(0)

        for b in range(b_sz):
            x = tf_ref[b, 0]
            xnsq = jnp.sum(x * x, axis=1, keepdims=True)
            s = _dot3(x, reft_ref[b], (((1,), (1,)), ((), ())))
            inv = 1.0 / jnp.maximum(jnp.sqrt(xnsq), _EPS)
            sim_s[pl.ds(f * p, p), b * r:(b + 1) * r] = s * inv

        @pl.when(f == n_extra - 1)
        def _():
            sim = sim_s[...]
            iota = lax.broadcasted_iota(jnp.int32, (fp, br), 0)
            bbase = (lax.broadcasted_iota(jnp.int32, (1, br), 1) // r) * (vt * p)
            rows = []
            for _k in range(_TOPK):
                mx = jnp.max(sim, axis=0, keepdims=True)
                cand = jnp.where(sim == mx, iota, jnp.int32(fp))
                pos = jnp.min(cand, axis=0, keepdims=True)
                g = bbase + pos + p * (pos // p + 1)
                rows.append(g)
                sim = jnp.where(iota == pos, -jnp.inf, sim)
            idx_out[...] = jnp.concatenate(rows, axis=0)

    return pl.pallas_call(
        body,
        grid=(n_extra,),
        in_specs=[
            pl.BlockSpec((b_sz, 1, p, d), lambda f: (0, 2 * f + 1, 0, 0)),
            pl.BlockSpec((b_sz, r, d), lambda f: (0, 0, 0)),
        ],
        out_specs=pl.BlockSpec((_TOPK, br), lambda f: (0, 0)),
        out_shape=jax.ShapeDtypeStruct((_TOPK, br), jnp.int32),
        scratch_shapes=[
            pltpu.VMEM((fp, br), jnp.float32),
        ],
    )(teacher_feats, reft)


def _angle_loss(reft, tsh, s_gath, simh, n_iters):
    b_sz, r, d = reft.shape
    k = simh.shape[0]
    rk = k * r
    total_elems = float(n_iters * b_sz * r * r * k)

    dotp = functools.partial(
        lax.dot_general,
        precision=lax.Precision.HIGHEST,
        preferred_element_type=jnp.float32)

    def huber(pred, tgt):
        dd = jnp.abs(pred - tgt)
        return jnp.where(dd < 1.0, 0.5 * dd * dd, dd - 0.5)

    def cosx(dot, usq, vsq):
        return dot / (jnp.maximum(jnp.sqrt(usq), _EPS) *
                      jnp.maximum(jnp.sqrt(vsq), _EPS))

    def body(rt_ref, th_ref, sg_ref, si_ref, exp_ref, out_ref):
        b = pl.program_id(0)
        rt = rt_ref[0]
        th = th_ref[0]
        sg = sg_ref[0]
        si = si_ref[:, 0].reshape(rk, d)

        ones = jnp.ones((1, d), jnp.float32)
        exp_m = exp_ref[...]

        cdim = (((1,), (1,)), ((), ()))
        gt = _dot3(th, si, cdim)
        gs = _dot3(sg[r:], si, cdim)
        dg_t = _dot3(rt, si, cdim)
        dg_s = _dot3(sg[:r], si, cdim)
        ht = _dot3(th, rt, cdim)
        hs = _dot3(sg[r:], sg[:r], cdim)

        nsi = _dot3(ones, si * si, cdim)
        nr_t = dotp(_dot3(ones, rt * rt, cdim), exp_m,
                    (((1,), (0,)), ((), ())))
        nr_s = dotp(_dot3(ones, sg[:r] * sg[:r], cdim), exp_m,
                    (((1,), (0,)), ((), ())))
        nsh_t = jnp.sum(th * th, axis=1, keepdims=True)
        nsh_s = jnp.sum(sg[r:] * sg[r:], axis=1, keepdims=True)
        dir_t = jnp.sum(dg_t * exp_m, axis=0, keepdims=True)
        dir_s = jnp.sum(dg_s * exp_m, axis=0, keepdims=True)

        acc = jnp.float32(0.0)
        for i in range(n_iters):
            sl = slice(i * r, (i + 1) * r)
            grids = []
            for gg, hh, nr, nsh, dirx in (
                    (gt, ht, nr_t, nsh_t, dir_t),
                    (gs, hs, nr_s, nsh_s, dir_s)):
                dsi = gg[sl]
                dsr = dotp(hh[i * r:(i + 1) * r], exp_m,
                           (((1,), (0,)), ((), ())))
                ns = nsh[i * r:(i + 1) * r]
                c1 = cosx(dsi - dsr - dirx + nr,
                          ns - 2.0 * dsr + nr, nsi - 2.0 * dirx + nr)
                c2 = cosx(dsr - dirx - dsi + nsi,
                          nr - 2.0 * dirx + nsi, ns - 2.0 * dsi + nsi)
                c3 = cosx(dirx - dsr - dsi + ns,
                          nr - 2.0 * dsr + ns, nsi - 2.0 * dsi + ns)
                grids.append((c1, c2, c3))
            (t1, t2, t3), (p1, p2, p3) = grids
            acc = acc + jnp.sum(huber(p1, t1)) + jnp.sum(huber(p2, t2)) \
                      + jnp.sum(huber(p3, t3))

        @pl.when(b == 0)
        def _():
            out_ref[...] = jnp.zeros((1, 1), jnp.float32)
        scale = jnp.where(b == b_sz - 1, 1.0 / total_elems, 1.0)
        out_ref[...] = (out_ref[...] + jnp.full((1, 1), acc, jnp.float32)) * scale

    return pl.pallas_call(
        body,
        grid=(b_sz,),
        in_specs=[
            pl.BlockSpec((1, r, d), lambda b: (b, 0, 0)),
            pl.BlockSpec((1, n_iters * r, d), lambda b: (b, 0, 0)),
            pl.BlockSpec((1, (1 + n_iters) * r, d), lambda b: (b, 0, 0)),
            pl.BlockSpec((k, 1, r, d), lambda b: (0, b, 0, 0)),
            pl.BlockSpec((r, rk), lambda b: (0, 0)),
        ],
        out_specs=pl.BlockSpec((1, 1), lambda b: (0, 0)),
        out_shape=jax.ShapeDtypeStruct((1, 1), jnp.float32),
    )(reft, tsh, s_gath, simh,
      (jnp.arange(r, dtype=jnp.int32)[:, None] ==
       jnp.arange(rk, dtype=jnp.int32)[None, :] % r).astype(jnp.float32))


def kernel(teacher_feats, student_feats, ref_idx, shared_idx):
    b_sz, vt, p, d = teacher_feats.shape
    vs = student_feats.shape[1]
    r = ref_idx.shape[0]
    n_it = len(_SHARED_TEACHER)

    t_flat = teacher_feats.reshape(b_sz * vt * p, d)
    s_flat = student_feats.reshape(b_sz * vs * p, d)

    b_off_t = (jnp.arange(b_sz) * vt * p)[:, None]
    b_off_s = (jnp.arange(b_sz) * vs * p)[:, None]
    tr_idx = (ref_idx[None, :] + b_off_t).reshape(-1)
    th_off = jnp.concatenate([shared_idx + f * p for f in _SHARED_TEACHER])
    th_idx = (th_off[None, :] + b_off_t).reshape(-1)
    s_off = jnp.concatenate(
        [ref_idx] + [shared_idx + f * p for f in _SHARED_STUDENT])
    s_idx = (s_off[None, :] + b_off_s).reshape(-1)

    reft = _sc_gather_rows(t_flat, tr_idx, per=8).reshape(b_sz, r, d)
    tsh, s_gath = _sc_gather_two(t_flat, th_idx, s_flat, s_idx)

    gidx = _sim_topk(teacher_feats, reft)
    simh = _sc_gather_rows(t_flat, gidx.reshape(-1))
    simh = simh.reshape(_TOPK, b_sz, r, d)

    loss = _angle_loss(reft, tsh.reshape(b_sz, n_it * r, d),
                       s_gath.reshape(b_sz, (1 + n_it) * r, d), simh, n_it)
    return loss[0, 0]

# --- scband reference (transcript-rebuilt; emitter-appended) ---
"""Pipeline reference for scband-vggtcross-frame-cfangle-loss-3350074491453 (READ-ONLY COPY).

The authoritative reference and input builder live on the scoring server;
editing this copy changes nothing except your own understanding.
"""

import jax, jax.numpy as jnp
import numpy as np

STUDENT_FRAMES = [0, 2, 4, 6]
EXTRA_FRAMES = [1, 3, 5, 7]
SHARED_TEACHER = [2, 4, 6]
SHARED_STUDENT = [1, 2, 3]
TOPK = 4
DELTA = 1.0
W1 = W2 = W3 = 1.0

B, VT, P, D = 2, 8, 1024, 1024
VS = 4
NUM_REF = 64
NUM_SHARED = 64


def _normalize(x, eps=1e-8):
    n = jnp.linalg.norm(x, axis=-1, keepdims=True)
    return x / jnp.maximum(n, eps)


def _cos_angle(a, b):
    return (_normalize(a) * _normalize(b)).sum(axis=-1)


def _huber(pred, target, delta=DELTA):
    d = jnp.abs(pred - target)
    return jnp.where(d < delta, 0.5 * d * d, delta * (d - 0.5 * delta))


def setup_inputs(seed: int = 0) -> dict:
    key = jax.random.key(seed)
    k1, k2, k3, k4 = jax.random.split(key, 4)
    teacher_feats = jax.random.normal(k1, (B, VT, P, D), dtype=jnp.float32)
    student_feats = jax.random.normal(k2, (B, VS, P, D), dtype=jnp.float32)
    ref_idx = jax.random.randint(k3, (NUM_REF,), 0, P, dtype=jnp.int32)
    shared_idx = jax.random.randint(k4, (NUM_SHARED,), 0, P, dtype=jnp.int32)
    return {"teacher_feats": teacher_feats, "student_feats": student_feats,
            "ref_idx": ref_idx, "shared_idx": shared_idx}


def reference(teacher_feats, student_feats, ref_idx, shared_idx):
    sg = jax.lax.stop_gradient
    R = ref_idx.shape[0]
    S = shared_idx.shape[0]
    bsz = teacher_feats.shape[0]

    # ref frame (teacher frame 0 -> student frame 0)
    ref_t = sg(teacher_feats[:, 0][:, ref_idx, :])           # [B, R, D]
    ref_s = student_feats[:, 0][:, ref_idx, :]               # [B, R, D]

    # teacher-only extra frames, concatenated along patch dim
    extra_t = sg(jnp.concatenate([teacher_feats[:, f] for f in EXTRA_FRAMES], axis=1))  # [B, 4P, D]

    # top-k similarity selection (selection_mode='topk')
    sim = jnp.einsum('brd,bpd->brp', _normalize(ref_t), _normalize(extra_t))  # [B, R, 4P]
    _, gather_idx = jax.lax.top_k(sim, TOPK)                  # [B, R, K]
    sim_high = jnp.take_along_axis(extra_t[:, None, :, :], gather_idx[..., None], axis=2)  # [B, R, K, D]
    sim_high = sg(sim_high)

    sum1 = jnp.asarray(0.0, jnp.float32)
    sum2 = jnp.asarray(0.0, jnp.float32)
    sum3 = jnp.asarray(0.0, jnp.float32)

    ref_t5 = ref_t[:, :, None, None, :]      # [B, R, 1, 1, D]
    ref_s5 = ref_s[:, :, None, None, :]
    simh5 = sim_high[:, :, None, :, :]       # [B, R, 1, K, D]

    for t_idx, s_idx in zip(SHARED_TEACHER, SHARED_STUDENT):
        sh_t = sg(teacher_feats[:, t_idx][:, shared_idx, :])  # [B, S, D]
        sh_s = student_feats[:, s_idx][:, shared_idx, :]
        sh_t5 = sh_t[:, None, :, None, :]    # [B, 1, S, 1, D]
        sh_s5 = sh_s[:, None, :, None, :]

        a1_t = _cos_angle(sh_t5 - ref_t5, simh5 - ref_t5)
        a1_s = _cos_angle(sh_s5 - ref_s5, simh5 - ref_s5)
        sum1 = sum1 + _huber(a1_s, sg(a1_t)).sum()

        a2_t = _cos_angle(ref_t5 - simh5, sh_t5 - simh5)
        a2_s = _cos_angle(ref_s5 - simh5, sh_s5 - simh5)
        sum2 = sum2 + _huber(a2_s, sg(a2_t)).sum()

        a3_t = _cos_angle(ref_t5 - sh_t5, simh5 - sh_t5)
        a3_s = _cos_angle(ref_s5 - sh_s5, simh5 - sh_s5)
        sum3 = sum3 + _huber(a3_s, sg(a3_t)).sum()

    total_elements = len(SHARED_TEACHER) * bsz * R * S * TOPK
    loss = (W1 * sum1 + W2 * sum2 + W3 * sum3) / total_elements
    return loss

if __name__ == "__main__":
    import jax
    _d = setup_inputs()
    print(jax.jit(kernel)(*tuple(_d.values())))

</pallas_src>

<mosaic_0001>
#map = affine_map<(d0, d1) -> (0, 0)>
#map1 = affine_map<(d0, d1) -> (0)>
module attributes {stable_mosaic.version = 14 : i64} {
  func.func @gather_kernel(%arg0: i32, %arg1: i32, %arg2: memref<16384x1024xf32, #tpu.memory_space<hbm>>, %arg3: memref<384xi32, #tpu.memory_space<hbm>>, %arg4: memref<8192x1024xf32, #tpu.memory_space<hbm>>, %arg5: memref<512xi32, #tpu.memory_space<hbm>>, %arg6: memref<384x1024xf32, #tpu.memory_space<hbm>>, %arg7: memref<512x1024xf32, #tpu.memory_space<hbm>>, %arg8: memref<16xi32, #tpu.memory_space<vmem>>, %arg9: memref<16x1024xf32, #tpu.memory_space<vmem>>, %arg10: memref<16xi32, #tpu.memory_space<vmem>>, %arg11: memref<16x1024xf32, #tpu.memory_space<vmem>>, %arg12: memref<!tpu.dma_semaphore, #tpu.memory_space<semaphore_mem>>) attributes {dimension_semantics = [#tpu.dimension_semantics<core_parallel>, #tpu.dimension_semantics<subcore_parallel>], iteration_bounds = array<i64: 2, 16>, scalar_prefetch = 0 : i64, scratch_operands = 5 : i64, tpu.core_type = #tpu.core_type<sc_vector_subcore>, window_params = [{transform_indices = #map}, {transform_indices = #map1}, {transform_indices = #map}, {transform_indices = #map1}, {transform_indices = #map}, {transform_indices = #map}]} {
    %mul3A = arith.constant 2 : i32
    %mul3A_0 = arith.muli %arg1, %mul3A : i32
    %add3A = arith.addi %mul3A_0, %arg0 : i32
    %lt3A = arith.constant 24 : i32
    %lt3A_1 = arith.cmpi slt, %add3A, %lt3A : i32
    %convert_element_type3A = arith.extui %lt3A_1 : i1 to i32
    %cond3A = arith.constant 0 : i32
    %cond3A_2 = arith.cmpi ne, %convert_element_type3A, %cond3A : i32
    scf.if %cond3A_2 {
      %mul3A_9 = arith.constant 16 : i32
      %mul3A_10 = arith.muli %add3A, %mul3A_9 : i32
      "tpu.region"() ({
        %run_scoped3A = tpu.sem_alloc : memref<!tpu.dma_semaphore, #tpu.memory_space<semaphore_mem>>
        %dma_start3A_17 = tpu.memref_slice %arg3[%mul3A_10] : memref<384xi32, #tpu.memory_space<hbm>> -> memref<16xi32, #tpu.memory_space<hbm>>
        %dma_start3A_18 = tpu.memref_slice %arg3[%mul3A_10] : memref<384xi32, #tpu.memory_space<hbm>> -> memref<16xi32, #tpu.memory_space<hbm>>
        tpu.enqueue_dma source(%dma_start3A_18 : memref<16xi32, #tpu.memory_space<hbm>>) target(%arg8 : memref<16xi32, #tpu.memory_space<vmem>>) target_semaphore(%run_scoped3A : memref<!tpu.dma_semaphore, #tpu.memory_space<semaphore_mem>>)
        %dma_wait3A_19 = tpu.memref_slice %arg3[%mul3A_10] : memref<384xi32, #tpu.memory_space<hbm>> -> memref<16xi32, #tpu.memory_space<hbm>>
        %dma_wait3A_20 = tpu.memref_slice %arg3[%mul3A_10] : memref<384xi32, #tpu.memory_space<hbm>> -> memref<16xi32, #tpu.memory_space<hbm>>
        tpu.wait_dma2 semaphore(%run_scoped3A : memref<!tpu.dma_semaphore, #tpu.memory_space<semaphore_mem>>) src(%dma_wait3A_20 : memref<16xi32, #tpu.memory_space<hbm>>) dst(%arg8 : memref<16xi32, #tpu.memory_space<vmem>>)
        tpu.yield
      }) : () -> ()
      %dma_start3A_11 = arith.constant 0 : i32
      %dma_start3A_12 = arith.constant 0 : i32
      %dma_start3A_13 = tpu.memref_slice %arg2[%dma_start3A_11, %dma_start3A_12] : memref<16384x1024xf32, #tpu.memory_space<hbm>> -> memref<16384x1024xf32, #tpu.memory_space<hbm>>
      tpu.enqueue_indirect_dma source(%dma_start3A_13 : memref<16384x1024xf32, #tpu.memory_space<hbm>>) target(%arg9 : memref<16x1024xf32, #tpu.memory_space<vmem>>) offsets(%arg8 : memref<16xi32, #tpu.memory_space<vmem>>) semaphore(%arg12 : memref<!tpu.dma_semaphore, #tpu.memory_space<semaphore_mem>>)
      %dma_wait3A_14 = arith.constant 0 : i32
      %dma_wait3A_15 = arith.constant 0 : i32
      %dma_wait3A_16 = tpu.memref_slice %arg2[%dma_wait3A_14, %dma_wait3A_15] : memref<16384x1024xf32, #tpu.memory_space<hbm>> -> memref<16384x1024xf32, #tpu.memory_space<hbm>>
      tpu.wait_indirect_dma semaphore(%arg12 : memref<!tpu.dma_semaphore, #tpu.memory_space<semaphore_mem>>) src(%dma_wait3A_16 : memref<16384x1024xf32, #tpu.memory_space<hbm>>) dst(%arg9 : memref<16x1024xf32, #tpu.memory_space<vmem>>)
      "tpu.region"() ({
        %run_scoped3A = tpu.sem_alloc : memref<!tpu.dma_semaphore, #tpu.memory_space<semaphore_mem>>
        %dma_start3A_17 = arith.constant 0 : i32
        %dma_start3A_18 = tpu.memref_slice %arg6[%mul3A_10, %dma_start3A_17] : memref<384x1024xf32, #tpu.memory_space<hbm>> -> memref<16x1024xf32, #tpu.memory_space<hbm>>
        %dma_start3A_19 = arith.constant 0 : i32
        %dma_start3A_20 = tpu.memref_slice %arg6[%mul3A_10, %dma_start3A_19] : memref<384x1024xf32, #tpu.memory_space<hbm>> -> memref<16x1024xf32, #tpu.memory_space<hbm>>
        tpu.enqueue_dma source(%arg9 : memref<16x1024xf32, #tpu.memory_space<vmem>>) target(%dma_start3A_20 : memref<16x1024xf32, #tpu.memory_space<hbm>>) target_semaphore(%run_scoped3A : memref<!tpu.dma_semaphore, #tpu.memory_space<semaphore_mem>>)
        %dma_wait3A_21 = arith.constant 0 : i32
        %dma_wait3A_22 = tpu.memref_slice %arg6[%mul3A_10, %dma_wait3A_21] : memref<384x1024xf32, #tpu.memory_space<hbm>> -> memref<16x1024xf32, #tpu.memory_space<hbm>>
        %dma_wait3A_23 = arith.constant 0 : i32
        %dma_wait3A_24 = tpu.memref_slice %arg6[%mul3A_10, %dma_wait3A_23] : memref<384x1024xf32, #tpu.memory_space<hbm>> -> memref<16x1024xf32, #tpu.memory_space<hbm>>
        tpu.wait_dma2 semaphore(%run_scoped3A : memref<!tpu.dma_semaphore, #tpu.memory_space<semaphore_mem>>) src(%arg9 : memref<16x1024xf32, #tpu.memory_space<vmem>>) dst(%dma_wait3A_24 : memref<16x1024xf32, #tpu.memory_space<hbm>>)
        tpu.yield
      }) : () -> ()
    } else {
    }
    %mul3A_3 = arith.constant 16 : i32
    %mul3A_4 = arith.muli %add3A, %mul3A_3 : i32
    "tpu.region"() ({
      %run_scoped3A = tpu.sem_alloc : memref<!tpu.dma_semaphore, #tpu.memory_space<semaphore_mem>>
      %dma_start3A_9 = tpu.memref_slice %arg5[%mul3A_4] : memref<512xi32, #tpu.memory_space<hbm>> -> memref<16xi32, #tpu.memory_space<hbm>>
      %dma_start3A_10 = tpu.memref_slice %arg5[%mul3A_4] : memref<512xi32, #tpu.memory_space<hbm>> -> memref<16xi32, #tpu.memory_space<hbm>>
      tpu.enqueue_dma source(%dma_start3A_10 : memref<16xi32, #tpu.memory_space<hbm>>) target(%arg10 : memref<16xi32, #tpu.memory_space<vmem>>) target_semaphore(%run_scoped3A : memref<!tpu.dma_semaphore, #tpu.memory_space<semaphore_mem>>)
      %dma_wait3A_11 = tpu.memref_slice %arg5[%mul3A_4] : memref<512xi32, #tpu.memory_space<hbm>> -> memref<16xi32, #tpu.memory_space<hbm>>
      %dma_wait3A_12 = tpu.memref_slice %arg5[%mul3A_4] : memref<512xi32, #tpu.memory_space<hbm>> -> memref<16xi32, #tpu.memory_space<hbm>>
      tpu.wait_dma2 semaphore(%run_scoped3A : memref<!tpu.dma_semaphore, #tpu.memory_space<semaphore_mem>>) src(%dma_wait3A_12 : memref<16xi32, #tpu.memory_space<hbm>>) dst(%arg10 : memref<16xi32, #tpu.memory_space<vmem>>)
      tpu.yield
    }) : () -> ()
    %dma_start3A = arith.constant 0 : i32
    %dma_start3A_5 = arith.constant 0 : i32
    %dma_start3A_6 = tpu.memref_slice %arg4[%dma_start3A, %dma_start3A_5] : memref<8192x1024xf32, #tpu.memory_space<hbm>> -> memref<8192x1024xf32, #tpu.memory_space<hbm>>
    tpu.enqueue_indirect_dma source(%dma_start3A_6 : memref<8192x1024xf32, #tpu.memory_space<hbm>>) target(%arg11 : memref<16x1024xf32, #tpu.memory_space<vmem>>) offsets(%arg10 : memref<16xi32, #tpu.memory_space<vmem>>) semaphore(%arg12 : memref<!tpu.dma_semaphore, #tpu.memory_space<semaphore_mem>>)
    %dma_wait3A = arith.constant 0 : i32
    %dma_wait3A_7 = arith.constant 0 : i32
    %dma_wait3A_8 = tpu.memref_slice %arg4[%dma_wait3A, %dma_wait3A_7] : memref<8192x1024xf32, #tpu.memory_space<hbm>> -> memref<8192x1024xf32, #tpu.memory_space<hbm>>
    tpu.wait_indirect_dma semaphore(%arg12 : memref<!tpu.dma_semaphore, #tpu.memory_space<semaphore_mem>>) src(%dma_wait3A_8 : memref<8192x1024xf32, #tpu.memory_space<hbm>>) dst(%arg11 : memref<16x1024xf32, #tpu.memory_space<vmem>>)
    "tpu.region"() ({
      %run_scoped3A = tpu.sem_alloc : memref<!tpu.dma_semaphore, #tpu.memory_space<semaphore_mem>>
      %dma_start3A_9 = arith.constant 0 : i32
      %dma_start3A_10 = tpu.memref_slice %arg7[%mul3A_4, %dma_start3A_9] : memref<512x1024xf32, #tpu.memory_space<hbm>> -> memref<16x1024xf32, #tpu.memory_space<hbm>>
      %dma_start3A_11 = arith.constant 0 : i32
      %dma_start3A_12 = tpu.memref_slice %arg7[%mul3A_4, %dma_start3A_11] : memref<512x1024xf32, #tpu.memory_space<hbm>> -> memref<16x1024xf32, #tpu.memory_space<hbm>>
      tpu.enqueue_dma source(%arg11 : memref<16x1024xf32, #tpu.memory_space<vmem>>) target(%dma_start3A_12 : memref<16x1024xf32, #tpu.memory_space<hbm>>) target_semaphore(%run_scoped3A : memref<!tpu.dma_semaphore, #tpu.memory_space<semaphore_mem>>)
      %dma_wait3A_13 = arith.constant 0 : i32
      %dma_wait3A_14 = tpu.memref_slice %arg7[%mul3A_4, %dma_wait3A_13] : memref<512x1024xf32, #tpu.memory_space<hbm>> -> memref<16x1024xf32, #tpu.memory_space<hbm>>
      %dma_wait3A_15 = arith.constant 0 : i32
      %dma_wait3A_16 = tpu.memref_slice %arg7[%mul3A_4, %dma_wait3A_15] : memref<512x1024xf32, #tpu.memory_space<hbm>> -> memref<16x1024xf32, #tpu.memory_space<hbm>>
      tpu.wait_dma2 semaphore(%run_scoped3A : memref<!tpu.dma_semaphore, #tpu.memory_space<semaphore_mem>>) src(%arg11 : memref<16x1024xf32, #tpu.memory_space<vmem>>) dst(%dma_wait3A_16 : memref<16x1024xf32, #tpu.memory_space<hbm>>)
      tpu.yield
    }) : () -> ()
    return
  }
}

#map = affine_map<(d0, d1) -> (0, 0)>
#map1 = affine_map<(d0, d1) -> (0)>
module attributes {stable_mosaic.version = 14 : i64} {
  func.func @gather_kernel(%arg0: i32, %arg1: i32, %arg2: memref<16384x1024xf32, #tpu.memory_space<hbm>>, %arg3: memref<128xi32, #tpu.memory_space<hbm>>, %arg4: memref<128x1024xf32, #tpu.memory_space<hbm>>, %arg5: memref<8xi32, #tpu.memory_space<vmem>>, %arg6: memref<8x1024xf32, #tpu.memory_space<vmem>>, %arg7: memref<!tpu.dma_semaphore, #tpu.memory_space<semaphore_mem>>) attributes {dimension_semantics = [#tpu.dimension_semantics<core_parallel>, #tpu.dimension_semantics<subcore_parallel>], iteration_bounds = array<i64: 2, 16>, scalar_prefetch = 0 : i64, scratch_operands = 3 : i64, tpu.core_type = #tpu.core_type<sc_vector_subcore>, window_params = [{transform_indices = #map}, {transform_indices = #map1}, {transform_indices = #map}]} {
    %mul3A = arith.constant 2 : i32
    %mul3A_0 = arith.muli %arg1, %mul3A : i32
    %add3A = arith.addi %mul3A_0, %arg0 : i32
    %lt3A = arith.constant 16 : i32
    %lt3A_1 = arith.cmpi slt, %add3A, %lt3A : i32
    %convert_element_type3A = arith.extui %lt3A_1 : i1 to i32
    %cond3A = arith.constant 0 : i32
    %cond3A_2 = arith.cmpi ne, %convert_element_type3A, %cond3A : i32
    scf.if %cond3A_2 {
      %mul3A_3 = arith.constant 8 : i32
      %mul3A_4 = arith.muli %add3A, %mul3A_3 : i32
      "tpu.region"() ({
        %run_scoped3A = tpu.sem_alloc : memref<!tpu.dma_semaphore, #tpu.memory_space<semaphore_mem>>
        %dma_start3A_9 = tpu.memref_slice %arg3[%mul3A_4] : memref<128xi32, #tpu.memory_space<hbm>> -> memref<8xi32, #tpu.memory_space<hbm>>
        %dma_start3A_10 = tpu.memref_slice %arg3[%mul3A_4] : memref<128xi32, #tpu.memory_space<hbm>> -> memref<8xi32, #tpu.memory_space<hbm>>
        tpu.enqueue_dma source(%dma_start3A_10 : memref<8xi32, #tpu.memory_space<hbm>>) target(%arg5 : memref<8xi32, #tpu.memory_space<vmem>>) target_semaphore(%run_scoped3A : memref<!tpu.dma_semaphore, #tpu.memory_space<semaphore_mem>>)
        %dma_wait3A_11 = tpu.memref_slice %arg3[%mul3A_4] : memref<128xi32, #tpu.memory_space<hbm>> -> memref<8xi32, #tpu.memory_space<hbm>>
        %dma_wait3A_12 = tpu.memref_slice %arg3[%mul3A_4] : memref<128xi32, #tpu.memory_space<hbm>> -> memref<8xi32, #tpu.memory_space<hbm>>
        tpu.wait_dma2 semaphore(%run_scoped3A : memref<!tpu.dma_semaphore, #tpu.memory_space<semaphore_mem>>) src(%dma_wait3A_12 : memref<8xi32, #tpu.memory_space<hbm>>) dst(%arg5 : memref<8xi32, #tpu.memory_space<vmem>>)
        tpu.yield
      }) : () -> ()
      %dma_start3A = arith.constant 0 : i32
      %dma_start3A_5 = arith.constant 0 : i32
      %dma_start3A_6 = tpu.memref_slice %arg2[%dma_start3A, %dma_start3A_5] : memref<16384x1024xf32, #tpu.memory_space<hbm>> -> memref<16384x1024xf32, #tpu.memory_space<hbm>>
      tpu.enqueue_indirect_dma source(%dma_start3A_6 : memref<16384x1024xf32, #tpu.memory_space<hbm>>) target(%arg6 : memref<8x1024xf32, #tpu.memory_space<vmem>>) offsets(%arg5 : memref<8xi32, #tpu.memory_space<vmem>>) semaphore(%arg7 : memref<!tpu.dma_semaphore, #tpu.memory_space<semaphore_mem>>)
      %dma_wait3A = arith.constant 0 : i32
      %dma_wait3A_7 = arith.constant 0 : i32
      %dma_wait3A_8 = tpu.memref_slice %arg2[%dma_wait3A, %dma_wait3A_7] : memref<16384x1024xf32, #tpu.memory_space<hbm>> -> memref<16384x1024xf32, #tpu.memory_space<hbm>>
      tpu.wait_indirect_dma semaphore(%arg7 : memref<!tpu.dma_semaphore, #tpu.memory_space<semaphore_mem>>) src(%dma_wait3A_8 : memref<16384x1024xf32, #tpu.memory_space<hbm>>) dst(%arg6 : memref<8x1024xf32, #tpu.memory_space<vmem>>)
      "tpu.region"() ({
        %run_scoped3A = tpu.sem_alloc : memref<!tpu.dma_semaphore, #tpu.memory_space<semaphore_mem>>
        %dma_start3A_9 = arith.constant 0 : i32
        %dma_start3A_10 = tpu.memref_slice %arg4[%mul3A_4, %dma_start3A_9] : memref<128x1024xf32, #tpu.memory_space<hbm>> -> memref<8x1024xf32, #tpu.memory_space<hbm>>
        %dma_start3A_11 = arith.constant 0 : i32
        %dma_start3A_12 = tpu.memref_slice %arg4[%mul3A_4, %dma_start3A_11] : memref<128x1024xf32, #tpu.memory_space<hbm>> -> memref<8x1024xf32, #tpu.memory_space<hbm>>
        tpu.enqueue_dma source(%arg6 : memref<8x1024xf32, #tpu.memory_space<vmem>>) target(%dma_start3A_12 : memref<8x1024xf32, #tpu.memory_space<hbm>>) target_semaphore(%run_scoped3A : memref<!tpu.dma_semaphore, #tpu.memory_space<semaphore_mem>>)
        %dma_wait3A_13 = arith.constant 0 : i32
        %dma_wait3A_14 = tpu.memref_slice %arg4[%mul3A_4, %dma_wait3A_13] : memref<128x1024xf32, #tpu.memory_space<hbm>> -> memref<8x1024xf32, #tpu.memory_space<hbm>>
        %dma_wait3A_15 = arith.constant 0 : i32
        %dma_wait3A_16 = tpu.memref_slice %arg4[%mul3A_4, %dma_wait3A_15] : memref<128x1024xf32, #tpu.memory_space<hbm>> -> memref<8x1024xf32, #tpu.memory_space<hbm>>
        tpu.wait_dma2 semaphore(%run_scoped3A : memref<!tpu.dma_semaphore, #tpu.memory_space<semaphore_mem>>) src(%arg6 : memref<8x1024xf32, #tpu.memory_space<vmem>>) dst(%dma_wait3A_16 : memref<8x1024xf32, #tpu.memory_space<hbm>>)
        tpu.yield
      }) : () -> ()
    } else {
    }
    return
  }
}

#map = affine_map<(d0, d1) -> (0, 0)>
#map1 = affine_map<(d0, d1) -> (0)>
module attributes {stable_mosaic.version = 14 : i64} {
  func.func @gather_kernel(%arg0: i32, %arg1: i32, %arg2: memref<16384x1024xf32, #tpu.memory_space<hbm>>, %arg3: memref<512xi32, #tpu.memory_space<hbm>>, %arg4: memref<512x1024xf32, #tpu.memory_space<hbm>>, %arg5: memref<16xi32, #tpu.memory_space<vmem>>, %arg6: memref<16x1024xf32, #tpu.memory_space<vmem>>, %arg7: memref<!tpu.dma_semaphore, #tpu.memory_space<semaphore_mem>>) attributes {dimension_semantics = [#tpu.dimension_semantics<core_parallel>, #tpu.dimension_semantics<subcore_parallel>], iteration_bounds = array<i64: 2, 16>, scalar_prefetch = 0 : i64, scratch_operands = 3 : i64, tpu.core_type = #tpu.core_type<sc_vector_subcore>, window_params = [{transform_indices = #map}, {transform_indices = #map1}, {transform_indices = #map}]} {
    %mul3A = arith.constant 2 : i32
    %mul3A_0 = arith.muli %arg1, %mul3A : i32
    %add3A = arith.addi %mul3A_0, %arg0 : i32
    %lt3A = arith.constant 32 : i32
    %lt3A_1 = arith.cmpi slt, %add3A, %lt3A : i32
    %convert_element_type3A = arith.extui %lt3A_1 : i1 to i32
    %cond3A = arith.constant 0 : i32
    %cond3A_2 = arith.cmpi ne, %convert_element_type3A, %cond3A : i32
    scf.if %cond3A_2 {
      %mul3A_3 = arith.constant 16 : i32
      %mul3A_4 = arith.muli %add3A, %mul3A_3 : i32
      "tpu.region"() ({
        %run_scoped3A = tpu.sem_alloc : memref<!tpu.dma_semaphore, #tpu.memory_space<semaphore_mem>>
        %dma_start3A_9 = tpu.memref_slice %arg3[%mul3A_4] : memref<512xi32, #tpu.memory_space<hbm>> -> memref<16xi32, #tpu.memory_space<hbm>>
        %dma_start3A_10 = tpu.memref_slice %arg3[%mul3A_4] : memref<512xi32, #tpu.memory_space<hbm>> -> memref<16xi32, #tpu.memory_space<hbm>>
        tpu.enqueue_dma source(%dma_start3A_10 : memref<16xi32, #tpu.memory_space<hbm>>) target(%arg5 : memref<16xi32, #tpu.memory_space<vmem>>) target_semaphore(%run_scoped3A : memref<!tpu.dma_semaphore, #tpu.memory_space<semaphore_mem>>)
        %dma_wait3A_11 = tpu.memref_slice %arg3[%mul3A_4] : memref<512xi32, #tpu.memory_space<hbm>> -> memref<16xi32, #tpu.memory_space<hbm>>
        %dma_wait3A_12 = tpu.memref_slice %arg3[%mul3A_4] : memref<512xi32, #tpu.memory_space<hbm>> -> memref<16xi32, #tpu.memory_space<hbm>>
        tpu.wait_dma2 semaphore(%run_scoped3A : memref<!tpu.dma_semaphore, #tpu.memory_space<semaphore_mem>>) src(%dma_wait3A_12 : memref<16xi32, #tpu.memory_space<hbm>>) dst(%arg5 : memref<16xi32, #tpu.memory_space<vmem>>)
        tpu.yield
      }) : () -> ()
      %dma_start3A = arith.constant 0 : i32
      %dma_start3A_5 = arith.constant 0 : i32
      %dma_start3A_6 = tpu.memref_slice %arg2[%dma_start3A, %dma_start3A_5] : memref<16384x1024xf32, #tpu.memory_space<hbm>> -> memref<16384x1024xf32, #tpu.memory_space<hbm>>
      tpu.enqueue_indirect_dma source(%dma_start3A_6 : memref<16384x1024xf32, #tpu.memory_space<hbm>>) target(%arg6 : memref<16x1024xf32, #tpu.memory_space<vmem>>) offsets(%arg5 : memref<16xi32, #tpu.memory_space<vmem>>) semaphore(%arg7 : memref<!tpu.dma_semaphore, #tpu.memory_space<semaphore_mem>>)
      %dma_wait3A = arith.constant 0 : i32
      %dma_wait3A_7 = arith.constant 0 : i32
      %dma_wait3A_8 = tpu.memref_slice %arg2[%dma_wait3A, %dma_wait3A_7] : memref<16384x1024xf32, #tpu.memory_space<hbm>> -> memref<16384x1024xf32, #tpu.memory_space<hbm>>
      tpu.wait_indirect_dma semaphore(%arg7 : memref<!tpu.dma_semaphore, #tpu.memory_space<semaphore_mem>>) src(%dma_wait3A_8 : memref<16384x1024xf32, #tpu.memory_space<hbm>>) dst(%arg6 : memref<16x1024xf32, #tpu.memory_space<vmem>>)
      "tpu.region"() ({
        %run_scoped3A = tpu.sem_alloc : memref<!tpu.dma_semaphore, #tpu.memory_space<semaphore_mem>>
        %dma_start3A_9 = arith.constant 0 : i32
        %dma_start3A_10 = tpu.memref_slice %arg4[%mul3A_4, %dma_start3A_9] : memref<512x1024xf32, #tpu.memory_space<hbm>> -> memref<16x1024xf32, #tpu.memory_space<hbm>>
        %dma_start3A_11 = arith.constant 0 : i32
        %dma_start3A_12 = tpu.memref_slice %arg4[%mul3A_4, %dma_start3A_11] : memref<512x1024xf32, #tpu.memory_space<hbm>> -> memref<16x1024xf32, #tpu.memory_space<hbm>>
        tpu.enqueue_dma source(%arg6 : memref<16x1024xf32, #tpu.memory_space<vmem>>) target(%dma_start3A_12 : memref<16x1024xf32, #tpu.memory_space<hbm>>) target_semaphore(%run_scoped3A : memref<!tpu.dma_semaphore, #tpu.memory_space<semaphore_mem>>)
        %dma_wait3A_13 = arith.constant 0 : i32
        %dma_wait3A_14 = tpu.memref_slice %arg4[%mul3A_4, %dma_wait3A_13] : memref<512x1024xf32, #tpu.memory_space<hbm>> -> memref<16x1024xf32, #tpu.memory_space<hbm>>
        %dma_wait3A_15 = arith.constant 0 : i32
        %dma_wait3A_16 = tpu.memref_slice %arg4[%mul3A_4, %dma_wait3A_15] : memref<512x1024xf32, #tpu.memory_space<hbm>> -> memref<16x1024xf32, #tpu.memory_space<hbm>>
        tpu.wait_dma2 semaphore(%run_scoped3A : memref<!tpu.dma_semaphore, #tpu.memory_space<semaphore_mem>>) src(%arg6 : memref<16x1024xf32, #tpu.memory_space<vmem>>) dst(%dma_wait3A_16 : memref<16x1024xf32, #tpu.memory_space<hbm>>)
        tpu.yield
      }) : () -> ()
    } else {
    }
    return
  }
}

module attributes {stable_mosaic.version = 14 : i64} {
  func.func @body(%arg0: i32, %arg1: memref<1x64x1024xf32, #tpu.memory_space<vmem>>, %arg2: memref<1x192x1024xf32, #tpu.memory_space<vmem>>, %arg3: memref<1x256x1024xf32, #tpu.memory_space<vmem>>, %arg4: memref<4x1x64x1024xf32, #tpu.memory_space<vmem>>, %arg5: memref<64x256xf32, #tpu.memory_space<vmem>>, %arg6: memref<1x1xf32, #tpu.memory_space<vmem>>) attributes {dimension_semantics = [#tpu.dimension_semantics<arbitrary>], iteration_bounds = array<i64: 2>, scalar_prefetch = 0 : i64, scratch_operands = 0 : i64, tpu.core_type = #tpu.core_type<tc>, window_params = [{transform_indices = @transform_0, window_bounds = array<i64: 1, 64, 1024>}, {transform_indices = @transform_1, window_bounds = array<i64: 1, 192, 1024>}, {transform_indices = @transform_2, window_bounds = array<i64: 1, 256, 1024>}, {transform_indices = @transform_3, window_bounds = array<i64: 4, 1, 64, 1024>}, {pipeline_mode = #tpu.pipeline_mode<synchronous>, transform_indices = @transform_4, window_bounds = array<i64: 64, 256>}, {pipeline_mode = #tpu.pipeline_mode<synchronous>, transform_indices = @transform_5, window_bounds = array<i64: 1, 1>}]} {
    %get3A = arith.constant 0 : index
    %get3A_0 = arith.constant 0 : index
    %get3A_1 = arith.constant 0 : index
    %get3A_2 = vector.load %arg1[%get3A, %get3A_0, %get3A_1] : memref<1x64x1024xf32, #tpu.memory_space<vmem>>, vector<1x64x1024xf32>
    %get3A_3 = vector.shape_cast %get3A_2 : vector<1x64x1024xf32> to vector<64x1024xf32>
    %get3A_4 = arith.constant 0 : index
    %get3A_5 = arith.constant 0 : index
    %get3A_6 = arith.constant 0 : index
    %get3A_7 = vector.load %arg2[%get3A_4, %get3A_5, %get3A_6] : memref<1x192x1024xf32, #tpu.memory_space<vmem>>, vector<1x192x1024xf32>
    %get3A_8 = vector.shape_cast %get3A_7 : vector<1x192x1024xf32> to vector<192x1024xf32>
    %get3A_9 = arith.constant 0 : index
    %get3A_10 = arith.constant 0 : index
    %get3A_11 = arith.constant 0 : index
    %get3A_12 = vector.load %arg3[%get3A_9, %get3A_10, %get3A_11] : memref<1x256x1024xf32, #tpu.memory_space<vmem>>, vector<1x256x1024xf32>
    %get3A_13 = vector.shape_cast %get3A_12 : vector<1x256x1024xf32> to vector<256x1024xf32>
    %get3A_14 = arith.constant 0 : index
    %get3A_15 = arith.constant 0 : index
    %get3A_16 = arith.constant 0 : index
    %get3A_17 = arith.constant 0 : index
    %get3A_18 = vector.load %arg4[%get3A_14, %get3A_15, %get3A_16, %get3A_17] : memref<4x1x64x1024xf32, #tpu.memory_space<vmem>>, vector<4x1x64x1024xf32>
    %get3A_19 = vector.shape_cast %get3A_18 : vector<4x1x64x1024xf32> to vector<4x64x1024xf32>
    %reshape3A = vector.shape_cast %get3A_19 : vector<4x64x1024xf32> to vector<256x1024xf32>
    %broadcast_in_dim3A = arith.constant 1.000000e+00 : f32
    %broadcast_in_dim3A_20 = vector.broadcast %broadcast_in_dim3A : f32 to vector<1x1024xf32>
    %get3A_21 = arith.constant 0 : index
    %get3A_22 = arith.constant 0 : index
    %get3A_23 = vector.load %arg5[%get3A_21, %get3A_22] : memref<64x256xf32, #tpu.memory_space<vmem>>, vector<64x256xf32>
    %convert_element_type3A = arith.truncf %get3A_8 : vector<192x1024xf32> to vector<192x1024xbf16>
    %convert_element_type3A_24 = arith.extf %convert_element_type3A : vector<192x1024xbf16> to vector<192x1024xf32>
    %sub3A = arith.subf %get3A_8, %convert_element_type3A_24 : vector<192x1024xf32>
    %convert_element_type3A_25 = arith.truncf %sub3A : vector<192x1024xf32> to vector<192x1024xbf16>
    %convert_element_type3A_26 = arith.truncf %reshape3A : vector<256x1024xf32> to vector<256x1024xbf16>
    %convert_element_type3A_27 = arith.extf %convert_element_type3A_26 : vector<256x1024xbf16> to vector<256x1024xf32>
    %sub3A_28 = arith.subf %reshape3A, %convert_element_type3A_27 : vector<256x1024xf32>
    %convert_element_type3A_29 = arith.truncf %sub3A_28 : vector<256x1024xf32> to vector<256x1024xbf16>
    %dot_general3A = arith.constant dense<0.000000e+00> : vector<192x256xf32>
    %dot_general3A_30 = tpu.matmul %convert_element_type3A, %convert_element_type3A_29, %dot_general3A {dimension_numbers = #tpu.dot_dimension_numbers<[1], [1], [0], [0], [0, 0, 1, 0], [], []>, transpose_lhs_hint = false} : vector<192x1024xbf16>, vector<256x1024xbf16>, vector<192x256xf32> -> vector<192x256xf32>
    %dot_general3A_31 = arith.constant dense<0.000000e+00> : vector<192x256xf32>
    %dot_general3A_32 = tpu.matmul %convert_element_type3A_25, %convert_element_type3A_26, %dot_general3A_31 {dimension_numbers = #tpu.dot_dimension_numbers<[1], [1], [0], [0], [0, 0, 1, 0], [], []>, transpose_lhs_hint = false} : vector<192x1024xbf16>, vector<256x1024xbf16>, vector<192x256xf32> -> vector<192x256xf32>
    %add3A = arith.addf %dot_general3A_30, %dot_general3A_32 : vector<192x256xf32>
    %dot_general3A_33 = arith.constant dense<0.000000e+00> : vector<192x256xf32>
    %dot_general3A_34 = tpu.matmul %convert_element_type3A, %convert_element_type3A_26, %dot_general3A_33 {dimension_numbers = #tpu.dot_dimension_numbers<[1], [1], [0], [0], [0, 0, 1, 0], [], []>, transpose_lhs_hint = false} : vector<192x1024xbf16>, vector<256x1024xbf16>, vector<192x256xf32> -> vector<192x256xf32>
    %add3A_35 = arith.addf %add3A, %dot_general3A_34 : vector<192x256xf32>
    %slice3A = vector.extract_strided_slice %get3A_13 {offsets = [64, 0], sizes = [192, 1024], strides = [1, 1]} : vector<256x1024xf32> to vector<192x1024xf32>
    %convert_element_type3A_36 = arith.truncf %slice3A : vector<192x1024xf32> to vector<192x1024xbf16>
    %convert_element_type3A_37 = arith.extf %convert_element_type3A_36 : vector<192x1024xbf16> to vector<192x1024xf32>
    %sub3A_38 = arith.subf %slice3A, %convert_element_type3A_37 : vector<192x1024xf32>
    %convert_element_type3A_39 = arith.truncf %sub3A_38 : vector<192x1024xf32> to vector<192x1024xbf16>
    %convert_element_type3A_40 = arith.truncf %reshape3A : vector<256x1024xf32> to vector<256x1024xbf16>
    %convert_element_type3A_41 = arith.extf %convert_element_type3A_40 : vector<256x1024xbf16> to vector<256x1024xf32>
    %sub3A_42 = arith.subf %reshape3A, %convert_element_type3A_41 : vector<256x1024xf32>
    %convert_element_type3A_43 = arith.truncf %sub3A_42 : vector<256x1024xf32> to vector<256x1024xbf16>
    %dot_general3A_44 = arith.constant dense<0.000000e+00> : vector<192x256xf32>
    %dot_general3A_45 = tpu.matmul %convert_element_type3A_36, %convert_element_type3A_43, %dot_general3A_44 {dimension_numbers = #tpu.dot_dimension_numbers<[1], [1], [0], [0], [0, 0, 1, 0], [], []>, transpose_lhs_hint = false} : vector<192x1024xbf16>, vector<256x1024xbf16>, vector<192x256xf32> -> vector<192x256xf32>
    %dot_general3A_46 = arith.constant dense<0.000000e+00> : vector<192x256xf32>
    %dot_general3A_47 = tpu.matmul %convert_element_type3A_39, %convert_element_type3A_40, %dot_general3A_46 {dimension_numbers = #tpu.dot_dimension_numbers<[1], [1], [0], [0], [0, 0, 1, 0], [], []>, transpose_lhs_hint = false} : vector<192x1024xbf16>, vector<256x1024xbf16>, vector<192x256xf32> -> vector<192x256xf32>
    %add3A_48 = arith.addf %dot_general3A_45, %dot_general3A_47 : vector<192x256xf32>
    %dot_general3A_49 = arith.constant dense<0.000000e+00> : vector<192x256xf32>
    %dot_general3A_50 = tpu.matmul %convert_element_type3A_36, %convert_element_type3A_40, %dot_general3A_49 {dimension_numbers = #tpu.dot_dimension_numbers<[1], [1], [0], [0], [0, 0, 1, 0], [], []>, transpose_lhs_hint = false} : vector<192x1024xbf16>, vector<256x1024xbf16>, vector<192x256xf32> -> vector<192x256xf32>
    %add3A_51 = arith.addf %add3A_48, %dot_general3A_50 : vector<192x256xf32>
    %convert_element_type3A_52 = arith.truncf %get3A_3 : vector<64x1024xf32> to vector<64x1024xbf16>
    %convert_element_type3A_53 = arith.extf %convert_element_type3A_52 : vector<64x1024xbf16> to vector<64x1024xf32>
    %sub3A_54 = arith.subf %get3A_3, %convert_element_type3A_53 : vector<64x1024xf32>
    %convert_element_type3A_55 = arith.truncf %sub3A_54 : vector<64x1024xf32> to vector<64x1024xbf16>
    %convert_element_type3A_56 = arith.truncf %reshape3A : vector<256x1024xf32> to vector<256x1024xbf16>
    %convert_element_type3A_57 = arith.extf %convert_element_type3A_56 : vector<256x1024xbf16> to vector<256x1024xf32>
    %sub3A_58 = arith.subf %reshape3A, %convert_element_type3A_57 : vector<256x1024xf32>
    %convert_element_type3A_59 = arith.truncf %sub3A_58 : vector<256x1024xf32> to vector<256x1024xbf16>
    %dot_general3A_60 = arith.constant dense<0.000000e+00> : vector<64x256xf32>
    %dot_general3A_61 = tpu.matmul %convert_element_type3A_52, %convert_element_type3A_59, %dot_general3A_60 {dimension_numbers = #tpu.dot_dimension_numbers<[1], [1], [0], [0], [0, 0, 1, 0], [], []>, transpose_lhs_hint = false} : vector<64x1024xbf16>, vector<256x1024xbf16>, vector<64x256xf32> -> vector<64x256xf32>
    %dot_general3A_62 = arith.constant dense<0.000000e+00> : vector<64x256xf32>
    %dot_general3A_63 = tpu.matmul %convert_element_type3A_55, %convert_element_type3A_56, %dot_general3A_62 {dimension_numbers = #tpu.dot_dimension_numbers<[1], [1], [0], [0], [0, 0, 1, 0], [], []>, transpose_lhs_hint = false} : vector<64x1024xbf16>, vector<256x1024xbf16>, vector<64x256xf32> -> vector<64x256xf32>
    %add3A_64 = arith.addf %dot_general3A_61, %dot_general3A_63 : vector<64x256xf32>
    %dot_general3A_65 = arith.constant dense<0.000000e+00> : vector<64x256xf32>
    %dot_general3A_66 = tpu.matmul %convert_element_type3A_52, %convert_element_type3A_56, %dot_general3A_65 {dimension_numbers = #tpu.dot_dimension_numbers<[1], [1], [0], [0], [0, 0, 1, 0], [], []>, transpose_lhs_hint = false} : vector<64x1024xbf16>, vector<256x1024xbf16>, vector<64x256xf32> -> vector<64x256xf32>
    %add3A_67 = arith.addf %add3A_64, %dot_general3A_66 : vector<64x256xf32>
    %slice3A_68 = vector.extract_strided_slice %get3A_13 {offsets = [0, 0], sizes = [64, 1024], strides = [1, 1]} : vector<256x1024xf32> to vector<64x1024xf32>
    %convert_element_type3A_69 = arith.truncf %slice3A_68 : vector<64x1024xf32> to vector<64x1024xbf16>
    %convert_element_type3A_70 = arith.extf %convert_element_type3A_69 : vector<64x1024xbf16> to vector<64x1024xf32>
    %sub3A_71 = arith.subf %slice3A_68, %convert_element_type3A_70 : vector<64x1024xf32>
    %convert_element_type3A_72 = arith.truncf %sub3A_71 : vector<64x1024xf32> to vector<64x1024xbf16>
    %convert_element_type3A_73 = arith.truncf %reshape3A : vector<256x1024xf32> to vector<256x1024xbf16>
    %convert_element_type3A_74 = arith.extf %convert_element_type3A_73 : vector<256x1024xbf16> to vector<256x1024xf32>
    %sub3A_75 = arith.subf %reshape3A, %convert_element_type3A_74 : vector<256x1024xf32>
    %convert_element_type3A_76 = arith.truncf %sub3A_75 : vector<256x1024xf32> to vector<256x1024xbf16>
    %dot_general3A_77 = arith.constant dense<0.000000e+00> : vector<64x256xf32>
    %dot_general3A_78 = tpu.matmul %convert_element_type3A_69, %convert_element_type3A_76, %dot_general3A_77 {dimension_numbers = #tpu.dot_dimension_numbers<[1], [1], [0], [0], [0, 0, 1, 0], [], []>, transpose_lhs_hint = false} : vector<64x1024xbf16>, vector<256x1024xbf16>, vector<64x256xf32> -> vector<64x256xf32>
    %dot_general3A_79 = arith.constant dense<0.000000e+00> : vector<64x256xf32>
    %dot_general3A_80 = tpu.matmul %convert_element_type3A_72, %convert_element_type3A_73, %dot_general3A_79 {dimension_numbers = #tpu.dot_dimension_numbers<[1], [1], [0], [0], [0, 0, 1, 0], [], []>, transpose_lhs_hint = false} : vector<64x1024xbf16>, vector<256x1024xbf16>, vector<64x256xf32> -> vector<64x256xf32>
    %add3A_81 = arith.addf %dot_general3A_78, %dot_general3A_80 : vector<64x256xf32>
    %dot_general3A_82 = arith.constant dense<0.000000e+00> : vector<64x256xf32>
    %dot_general3A_83 = tpu.matmul %convert_element_type3A_69, %convert_element_type3A_73, %dot_general3A_82 {dimension_numbers = #tpu.dot_dimension_numbers<[1], [1], [0], [0], [0, 0, 1, 0], [], []>, transpose_lhs_hint = false} : vector<64x1024xbf16>, vector<256x1024xbf16>, vector<64x256xf32> -> vector<64x256xf32>
    %add3A_84 = arith.addf %add3A_81, %dot_general3A_83 : vector<64x256xf32>
    %convert_element_type3A_85 = arith.truncf %get3A_8 : vector<192x1024xf32> to vector<192x1024xbf16>
    %convert_element_type3A_86 = arith.extf %convert_element_type3A_85 : vector<192x1024xbf16> to vector<192x1024xf32>
    %sub3A_87 = arith.subf %get3A_8, %convert_element_type3A_86 : vector<192x1024xf32>
    %convert_element_type3A_88 = arith.truncf %sub3A_87 : vector<192x1024xf32> to vector<192x1024xbf16>
    %convert_element_type3A_89 = arith.truncf %get3A_3 : vector<64x1024xf32> to vector<64x1024xbf16>
    %convert_element_type3A_90 = arith.extf %convert_element_type3A_89 : vector<64x1024xbf16> to vector<64x1024xf32>
    %sub3A_91 = arith.subf %get3A_3, %convert_element_type3A_90 : vector<64x1024xf32>
    %convert_element_type3A_92 = arith.truncf %sub3A_91 : vector<64x1024xf32> to vector<64x1024xbf16>
    %dot_general3A_93 = arith.constant dense<0.000000e+00> : vector<192x64xf32>
    %dot_general3A_94 = tpu.matmul %convert_element_type3A_85, %convert_element_type3A_92, %dot_general3A_93 {dimension_numbers = #tpu.dot_dimension_numbers<[1], [1], [0], [0], [0, 0, 1, 0], [], []>, transpose_lhs_hint = false} : vector<192x1024xbf16>, vector<64x1024xbf16>, vector<192x64xf32> -> vector<192x64xf32>
    %dot_general3A_95 = arith.constant dense<0.000000e+00> : vector<192x64xf32>
    %dot_general3A_96 = tpu.matmul %convert_element_type3A_88, %convert_element_type3A_89, %dot_general3A_95 {dimension_numbers = #tpu.dot_dimension_numbers<[1], [1], [0], [0], [0, 0, 1, 0], [], []>, transpose_lhs_hint = false} : vector<192x1024xbf16>, vector<64x1024xbf16>, vector<192x64xf32> -> vector<192x64xf32>
    %add3A_97 = arith.addf %dot_general3A_94, %dot_general3A_96 : vector<192x64xf32>
    %dot_general3A_98 = arith.constant dense<0.000000e+00> : vector<192x64xf32>
    %dot_general3A_99 = tpu.matmul %convert_element_type3A_85, %convert_element_type3A_89, %dot_general3A_98 {dimension_numbers = #tpu.dot_dimension_numbers<[1], [1], [0], [0], [0, 0, 1, 0], [], []>, transpose_lhs_hint = false} : vector<192x1024xbf16>, vector<64x1024xbf16>, vector<192x64xf32> -> vector<192x64xf32>
    %add3A_100 = arith.addf %add3A_97, %dot_general3A_99 : vector<192x64xf32>
    %slice3A_101 = vector.extract_strided_slice %get3A_13 {offsets = [64, 0], sizes = [192, 1024], strides = [1, 1]} : vector<256x1024xf32> to vector<192x1024xf32>
    %slice3A_102 = vector.extract_strided_slice %get3A_13 {offsets = [0, 0], sizes = [64, 1024], strides = [1, 1]} : vector<256x1024xf32> to vector<64x1024xf32>
    %convert_element_type3A_103 = arith.truncf %slice3A_101 : vector<192x1024xf32> to vector<192x1024xbf16>
    %convert_element_type3A_104 = arith.extf %convert_element_type3A_103 : vector<192x1024xbf16> to vector<192x1024xf32>
    %sub3A_105 = arith.subf %slice3A_101, %convert_element_type3A_104 : vector<192x1024xf32>
    %convert_element_type3A_106 = arith.truncf %sub3A_105 : vector<192x1024xf32> to vector<192x1024xbf16>
    %convert_element_type3A_107 = arith.truncf %slice3A_102 : vector<64x1024xf32> to vector<64x1024xbf16>
    %convert_element_type3A_108 = arith.extf %convert_element_type3A_107 : vector<64x1024xbf16> to vector<64x1024xf32>
    %sub3A_109 = arith.subf %slice3A_102, %convert_element_type3A_108 : vector<64x1024xf32>
    %convert_element_type3A_110 = arith.truncf %sub3A_109 : vector<64x1024xf32> to vector<64x1024xbf16>
    %dot_general3A_111 = arith.constant dense<0.000000e+00> : vector<192x64xf32>
    %dot_general3A_112 = tpu.matmul %convert_element_type3A_103, %convert_element_type3A_110, %dot_general3A_111 {dimension_numbers = #tpu.dot_dimension_numbers<[1], [1], [0], [0], [0, 0, 1, 0], [], []>, transpose_lhs_hint = false} : vector<192x1024xbf16>, vector<64x1024xbf16>, vector<192x64xf32> -> vector<192x64xf32>
    %dot_general3A_113 = arith.constant dense<0.000000e+00> : vector<192x64xf32>
    %dot_general3A_114 = tpu.matmul %convert_element_type3A_106, %convert_element_type3A_107, %dot_general3A_113 {dimension_numbers = #tpu.dot_dimension_numbers<[1], [1], [0], [0], [0, 0, 1, 0], [], []>, transpose_lhs_hint = false} : vector<192x1024xbf16>, vector<64x1024xbf16>, vector<192x64xf32> -> vector<192x64xf32>
    %add3A_115 = arith.addf %dot_general3A_112, %dot_general3A_114 : vector<192x64xf32>
    %dot_general3A_116 = arith.constant dense<0.000000e+00> : vector<192x64xf32>
    %dot_general3A_117 = tpu.matmul %convert_element_type3A_103, %convert_element_type3A_107, %dot_general3A_116 {dimension_numbers = #tpu.dot_dimension_numbers<[1], [1], [0], [0], [0, 0, 1, 0], [], []>, transpose_lhs_hint = false} : vector<192x1024xbf16>, vector<64x1024xbf16>, vector<192x64xf32> -> vector<192x64xf32>
    %add3A_118 = arith.addf %add3A_115, %dot_general3A_117 : vector<192x64xf32>
    %mul3A = arith.mulf %reshape3A, %reshape3A : vector<256x1024xf32>
    %convert_element_type3A_119 = arith.truncf %broadcast_in_dim3A_20 : vector<1x1024xf32> to vector<1x1024xbf16>
    %convert_element_type3A_120 = arith.extf %convert_element_type3A_119 : vector<1x1024xbf16> to vector<1x1024xf32>
    %sub3A_121 = arith.subf %broadcast_in_dim3A_20, %convert_element_type3A_120 : vector<1x1024xf32>
    %convert_element_type3A_122 = arith.truncf %sub3A_121 : vector<1x1024xf32> to vector<1x1024xbf16>
    %convert_element_type3A_123 = arith.truncf %mul3A : vector<256x1024xf32> to vector<256x1024xbf16>
    %convert_element_type3A_124 = arith.extf %convert_element_type3A_123 : vector<256x1024xbf16> to vector<256x1024xf32>
    %sub3A_125 = arith.subf %mul3A, %convert_element_type3A_124 : vector<256x1024xf32>
    %convert_element_type3A_126 = arith.truncf %sub3A_125 : vector<256x1024xf32> to vector<256x1024xbf16>
    %dot_general3A_127 = arith.constant dense<0.000000e+00> : vector<1x256xf32>
    %dot_general3A_128 = tpu.matmul %convert_element_type3A_119, %convert_element_type3A_126, %dot_general3A_127 {dimension_numbers = #tpu.dot_dimension_numbers<[1], [1], [0], [0], [0, 0, 1, 0], [], []>, transpose_lhs_hint = false} : vector<1x1024xbf16>, vector<256x1024xbf16>, vector<1x256xf32> -> vector<1x256xf32>
    %dot_general3A_129 = arith.constant dense<0.000000e+00> : vector<1x256xf32>
    %dot_general3A_130 = tpu.matmul %convert_element_type3A_122, %convert_element_type3A_123, %dot_general3A_129 {dimension_numbers = #tpu.dot_dimension_numbers<[1], [1], [0], [0], [0, 0, 1, 0], [], []>, transpose_lhs_hint = false} : vector<1x1024xbf16>, vector<256x1024xbf16>, vector<1x256xf32> -> vector<1x256xf32>
    %add3A_131 = arith.addf %dot_general3A_128, %dot_general3A_130 : vector<1x256xf32>
    %dot_general3A_132 = arith.constant dense<0.000000e+00> : vector<1x256xf32>
    %dot_general3A_133 = tpu.matmul %convert_element_type3A_119, %convert_element_type3A_123, %dot_general3A_132 {dimension_numbers = #tpu.dot_dimension_numbers<[1], [1], [0], [0], [0, 0, 1, 0], [], []>, transpose_lhs_hint = false} : vector<1x1024xbf16>, vector<256x1024xbf16>, vector<1x256xf32> -> vector<1x256xf32>
    %add3A_134 = arith.addf %add3A_131, %dot_general3A_133 : vector<1x256xf32>
    %mul3A_135 = arith.mulf %get3A_3, %get3A_3 : vector<64x1024xf32>
    %convert_element_type3A_136 = arith.truncf %broadcast_in_dim3A_20 : vector<1x1024xf32> to vector<1x1024xbf16>
    %convert_element_type3A_137 = arith.extf %convert_element_type3A_136 : vector<1x1024xbf16> to vector<1x1024xf32>
    %sub3A_138 = arith.subf %broadcast_in_dim3A_20, %convert_element_type3A_137 : vector<1x1024xf32>
    %convert_element_type3A_139 = arith.truncf %sub3A_138 : vector<1x1024xf32> to vector<1x1024xbf16>
    %convert_element_type3A_140 = arith.truncf %mul3A_135 : vector<64x1024xf32> to vector<64x1024xbf16>
    %convert_element_type3A_141 = arith.extf %convert_element_type3A_140 : vector<64x1024xbf16> to vector<64x1024xf32>
    %sub3A_142 = arith.subf %mul3A_135, %convert_element_type3A_141 : vector<64x1024xf32>
    %convert_element_type3A_143 = arith.truncf %sub3A_142 : vector<64x1024xf32> to vector<64x1024xbf16>
    %dot_general3A_144 = arith.constant dense<0.000000e+00> : vector<1x64xf32>
    %dot_general3A_145 = tpu.matmul %convert_element_type3A_136, %convert_element_type3A_143, %dot_general3A_144 {dimension_numbers = #tpu.dot_dimension_numbers<[1], [1], [0], [0], [0, 0, 1, 0], [], []>, transpose_lhs_hint = false} : vector<1x1024xbf16>, vector<64x1024xbf16>, vector<1x64xf32> -> vector<1x64xf32>
    %dot_general3A_146 = arith.constant dense<0.000000e+00> : vector<1x64xf32>
    %dot_general3A_147 = tpu.matmul %convert_element_type3A_139, %convert_element_type3A_140, %dot_general3A_146 {dimension_numbers = #tpu.dot_dimension_numbers<[1], [1], [0], [0], [0, 0, 1, 0], [], []>, transpose_lhs_hint = false} : vector<1x1024xbf16>, vector<64x1024xbf16>, vector<1x64xf32> -> vector<1x64xf32>
    %add3A_148 = arith.addf %dot_general3A_145, %dot_general3A_147 : vector<1x64xf32>
    %dot_general3A_149 = arith.constant dense<0.000000e+00> : vector<1x64xf32>
    %dot_general3A_150 = tpu.matmul %convert_element_type3A_136, %convert_element_type3A_140, %dot_general3A_149 {dimension_numbers = #tpu.dot_dimension_numbers<[1], [1], [0], [0], [0, 0, 1, 0], [], []>, transpose_lhs_hint = false} : vector<1x1024xbf16>, vector<64x1024xbf16>, vector<1x64xf32> -> vector<1x64xf32>
    %add3A_151 = arith.addf %add3A_148, %dot_general3A_150 : vector<1x64xf32>
    %dot_general3A_152 = arith.constant dense<0.000000e+00> : vector<1x256xf32>
    %dot_general3A_153 = tpu.matmul %add3A_151, %get3A_23, %dot_general3A_152 {dimension_numbers = #tpu.dot_dimension_numbers<[1], [0], [0], [1], [0, 0, 1, 1], [], []>, precision = #tpu.contract_precision<fp32>, transpose_lhs_hint = false} : vector<1x64xf32>, vector<64x256xf32>, vector<1x256xf32> -> vector<1x256xf32>
    %slice3A_154 = vector.extract_strided_slice %get3A_13 {offsets = [0, 0], sizes = [64, 1024], strides = [1, 1]} : vector<256x1024xf32> to vector<64x1024xf32>
    %slice3A_155 = vector.extract_strided_slice %get3A_13 {offsets = [0, 0], sizes = [64, 1024], strides = [1, 1]} : vector<256x1024xf32> to vector<64x1024xf32>
    %mul3A_156 = arith.mulf %slice3A_154, %slice3A_155 : vector<64x1024xf32>
    %convert_element_type3A_157 = arith.truncf %broadcast_in_dim3A_20 : vector<1x1024xf32> to vector<1x1024xbf16>
    %convert_element_type3A_158 = arith.extf %convert_element_type3A_157 : vector<1x1024xbf16> to vector<1x1024xf32>
    %sub3A_159 = arith.subf %broadcast_in_dim3A_20, %convert_element_type3A_158 : vector<1x1024xf32>
    %convert_element_type3A_160 = arith.truncf %sub3A_159 : vector<1x1024xf32> to vector<1x1024xbf16>
    %convert_element_type3A_161 = arith.truncf %mul3A_156 : vector<64x1024xf32> to vector<64x1024xbf16>
    %convert_element_type3A_162 = arith.extf %convert_element_type3A_161 : vector<64x1024xbf16> to vector<64x1024xf32>
    %sub3A_163 = arith.subf %mul3A_156, %convert_element_type3A_162 : vector<64x1024xf32>
    %convert_element_type3A_164 = arith.truncf %sub3A_163 : vector<64x1024xf32> to vector<64x1024xbf16>
    %dot_general3A_165 = arith.constant dense<0.000000e+00> : vector<1x64xf32>
    %dot_general3A_166 = tpu.matmul %convert_element_type3A_157, %convert_element_type3A_164, %dot_general3A_165 {dimension_numbers = #tpu.dot_dimension_numbers<[1], [1], [0], [0], [0, 0, 1, 0], [], []>, transpose_lhs_hint = false} : vector<1x1024xbf16>, vector<64x1024xbf16>, vector<1x64xf32> -> vector<1x64xf32>
    %dot_general3A_167 = arith.constant dense<0.000000e+00> : vector<1x64xf32>
    %dot_general3A_168 = tpu.matmul %convert_element_type3A_160, %convert_element_type3A_161, %dot_general3A_167 {dimension_numbers = #tpu.dot_dimension_numbers<[1], [1], [0], [0], [0, 0, 1, 0], [], []>, transpose_lhs_hint = false} : vector<1x1024xbf16>, vector<64x1024xbf16>, vector<1x64xf32> -> vector<1x64xf32>
    %add3A_169 = arith.addf %dot_general3A_166, %dot_general3A_168 : vector<1x64xf32>
    %dot_general3A_170 = arith.constant dense<0.000000e+00> : vector<1x64xf32>
    %dot_general3A_171 = tpu.matmul %convert_element_type3A_157, %convert_element_type3A_161, %dot_general3A_170 {dimension_numbers = #tpu.dot_dimension_numbers<[1], [1], [0], [0], [0, 0, 1, 0], [], []>, transpose_lhs_hint = false} : vector<1x1024xbf16>, vector<64x1024xbf16>, vector<1x64xf32> -> vector<1x64xf32>
    %add3A_172 = arith.addf %add3A_169, %dot_general3A_171 : vector<1x64xf32>
    %dot_general3A_173 = arith.constant dense<0.000000e+00> : vector<1x256xf32>
    %dot_general3A_174 = tpu.matmul %add3A_172, %get3A_23, %dot_general3A_173 {dimension_numbers = #tpu.dot_dimension_numbers<[1], [0], [0], [1], [0, 0, 1, 1], [], []>, precision = #tpu.contract_precision<fp32>, transpose_lhs_hint = false} : vector<1x64xf32>, vector<64x256xf32>, vector<1x256xf32> -> vector<1x256xf32>
    %mul3A_175 = arith.mulf %get3A_8, %get3A_8 : vector<192x1024xf32>
    %reduce_sum3A = arith.constant dense<0.000000e+00> : vector<192xf32>
    %reduce_sum3A_176 = vector.multi_reduction <add>, %mul3A_175, %reduce_sum3A [1] : vector<192x1024xf32> to vector<192xf32>
    %broadcast_in_dim3A_177 = vector.shape_cast %reduce_sum3A_176 : vector<192xf32> to vector<192x1xf32>
    %slice3A_178 = vector.extract_strided_slice %get3A_13 {offsets = [64, 0], sizes = [192, 1024], strides = [1, 1]} : vector<256x1024xf32> to vector<192x1024xf32>
    %slice3A_179 = vector.extract_strided_slice %get3A_13 {offsets = [64, 0], sizes = [192, 1024], strides = [1, 1]} : vector<256x1024xf32> to vector<192x1024xf32>
    %mul3A_180 = arith.mulf %slice3A_178, %slice3A_179 : vector<192x1024xf32>
    %reduce_sum3A_181 = arith.constant dense<0.000000e+00> : vector<192xf32>
    %reduce_sum3A_182 = vector.multi_reduction <add>, %mul3A_180, %reduce_sum3A_181 [1] : vector<192x1024xf32> to vector<192xf32>
    %broadcast_in_dim3A_183 = vector.shape_cast %reduce_sum3A_182 : vector<192xf32> to vector<192x1xf32>
    %mul3A_184 = arith.mulf %add3A_67, %get3A_23 : vector<64x256xf32>
    %reduce_sum3A_185 = arith.constant dense<0.000000e+00> : vector<256xf32>
    %reduce_sum3A_186 = vector.multi_reduction <add>, %mul3A_184, %reduce_sum3A_185 [0] : vector<64x256xf32> to vector<256xf32>
    %broadcast_in_dim3A_187 = vector.shape_cast %reduce_sum3A_186 : vector<256xf32> to vector<1x256xf32>
    %mul3A_188 = arith.mulf %add3A_84, %get3A_23 : vector<64x256xf32>
    %reduce_sum3A_189 = arith.constant dense<0.000000e+00> : vector<256xf32>
    %reduce_sum3A_190 = vector.multi_reduction <add>, %mul3A_188, %reduce_sum3A_189 [0] : vector<64x256xf32> to vector<256xf32>
    %broadcast_in_dim3A_191 = vector.shape_cast %reduce_sum3A_190 : vector<256xf32> to vector<1x256xf32>
    %slice3A_192 = vector.extract_strided_slice %add3A_35 {offsets = [0, 0], sizes = [64, 256], strides = [1, 1]} : vector<192x256xf32> to vector<64x256xf32>
    %slice3A_193 = vector.extract_strided_slice %add3A_100 {offsets = [0, 0], sizes = [64, 64], strides = [1, 1]} : vector<192x64xf32> to vector<64x64xf32>
    %dot_general3A_194 = arith.constant dense<0.000000e+00> : vector<64x256xf32>
    %dot_general3A_195 = tpu.matmul %slice3A_193, %get3A_23, %dot_general3A_194 {dimension_numbers = #tpu.dot_dimension_numbers<[1], [0], [0], [1], [0, 0, 1, 1], [], []>, precision = #tpu.contract_precision<fp32>, transpose_lhs_hint = false} : vector<64x64xf32>, vector<64x256xf32>, vector<64x256xf32> -> vector<64x256xf32>
    %slice3A_196 = vector.extract_strided_slice %broadcast_in_dim3A_177 {offsets = [0, 0], sizes = [64, 1], strides = [1, 1]} : vector<192x1xf32> to vector<64x1xf32>
    %sub3A_197 = arith.subf %slice3A_192, %dot_general3A_195 : vector<64x256xf32>
    %sub3A_198 = vector.broadcast %broadcast_in_dim3A_187 : vector<1x256xf32> to vector<64x256xf32>
    %sub3A_199 = arith.subf %sub3A_197, %sub3A_198 : vector<64x256xf32>
    %add3A_200 = vector.broadcast %dot_general3A_153 : vector<1x256xf32> to vector<64x256xf32>
    %add3A_201 = arith.addf %sub3A_199, %add3A_200 : vector<64x256xf32>
    %mul3A_202 = arith.constant 2.000000e+00 : f32
    %mul3A_203 = vector.broadcast %mul3A_202 : f32 to vector<64x256xf32>
    %mul3A_204 = arith.mulf %mul3A_203, %dot_general3A_195 : vector<64x256xf32>
    %sub3A_205 = vector.broadcast %slice3A_196 : vector<64x1xf32> to vector<64x256xf32>
    %sub3A_206 = arith.subf %sub3A_205, %mul3A_204 : vector<64x256xf32>
    %add3A_207 = vector.broadcast %dot_general3A_153 : vector<1x256xf32> to vector<64x256xf32>
    %add3A_208 = arith.addf %sub3A_206, %add3A_207 : vector<64x256xf32>
    %mul3A_209 = arith.constant 2.000000e+00 : f32
    %mul3A_210 = vector.broadcast %mul3A_209 : f32 to vector<1x256xf32>
    %mul3A_211 = arith.mulf %mul3A_210, %broadcast_in_dim3A_187 : vector<1x256xf32>
    %sub3A_212 = arith.subf %add3A_134, %mul3A_211 : vector<1x256xf32>
    %add3A_213 = arith.addf %sub3A_212, %dot_general3A_153 : vector<1x256xf32>
    %sqrt3A = math.sqrt %add3A_208 : vector<64x256xf32>
    %max3A = arith.constant 9.99999993E-9 : f32
    %max3A_214 = vector.broadcast %max3A : f32 to vector<64x256xf32>
    %max3A_215 = arith.maximumf %sqrt3A, %max3A_214 : vector<64x256xf32>
    %sqrt3A_216 = math.sqrt %add3A_213 : vector<1x256xf32>
    %max3A_217 = arith.constant 9.99999993E-9 : f32
    %max3A_218 = vector.broadcast %max3A_217 : f32 to vector<1x256xf32>
    %max3A_219 = arith.maximumf %sqrt3A_216, %max3A_218 : vector<1x256xf32>
    %mul3A_220 = vector.broadcast %max3A_219 : vector<1x256xf32> to vector<64x256xf32>
    %mul3A_221 = arith.mulf %max3A_215, %mul3A_220 : vector<64x256xf32>
    %div3A = arith.divf %add3A_201, %mul3A_221 : vector<64x256xf32>
    %sub3A_222 = vector.broadcast %broadcast_in_dim3A_187 : vector<1x256xf32> to vector<64x256xf32>
    %sub3A_223 = arith.subf %dot_general3A_195, %sub3A_222 : vector<64x256xf32>
    %sub3A_224 = arith.subf %sub3A_223, %slice3A_192 : vector<64x256xf32>
    %add3A_225 = vector.broadcast %add3A_134 : vector<1x256xf32> to vector<64x256xf32>
    %add3A_226 = arith.addf %sub3A_224, %add3A_225 : vector<64x256xf32>
    %mul3A_227 = arith.constant 2.000000e+00 : f32
    %mul3A_228 = vector.broadcast %mul3A_227 : f32 to vector<1x256xf32>
    %mul3A_229 = arith.mulf %mul3A_228, %broadcast_in_dim3A_187 : vector<1x256xf32>
    %sub3A_230 = arith.subf %dot_general3A_153, %mul3A_229 : vector<1x256xf32>
    %add3A_231 = arith.addf %sub3A_230, %add3A_134 : vector<1x256xf32>
    %mul3A_232 = arith.constant 2.000000e+00 : f32
    %mul3A_233 = vector.broadcast %mul3A_232 : f32 to vector<64x256xf32>
    %mul3A_234 = arith.mulf %mul3A_233, %slice3A_192 : vector<64x256xf32>
    %sub3A_235 = vector.broadcast %slice3A_196 : vector<64x1xf32> to vector<64x256xf32>
    %sub3A_236 = arith.subf %sub3A_235, %mul3A_234 : vector<64x256xf32>
    %add3A_237 = vector.broadcast %add3A_134 : vector<1x256xf32> to vector<64x256xf32>
    %add3A_238 = arith.addf %sub3A_236, %add3A_237 : vector<64x256xf32>
    %sqrt3A_239 = math.sqrt %add3A_231 : vector<1x256xf32>
    %max3A_240 = arith.constant 9.99999993E-9 : f32
    %max3A_241 = vector.broadcast %max3A_240 : f32 to vector<1x256xf32>
    %max3A_242 = arith.maximumf %sqrt3A_239, %max3A_241 : vector<1x256xf32>
    %sqrt3A_243 = math.sqrt %add3A_238 : vector<64x256xf32>
    %max3A_244 = arith.constant 9.99999993E-9 : f32
    %max3A_245 = vector.broadcast %max3A_244 : f32 to vector<64x256xf32>
    %max3A_246 = arith.maximumf %sqrt3A_243, %max3A_245 : vector<64x256xf32>
    %mul3A_247 = vector.broadcast %max3A_242 : vector<1x256xf32> to vector<64x256xf32>
    %mul3A_248 = arith.mulf %mul3A_247, %max3A_246 : vector<64x256xf32>
    %div3A_249 = arith.divf %add3A_226, %mul3A_248 : vector<64x256xf32>
    %sub3A_250 = vector.broadcast %broadcast_in_dim3A_187 : vector<1x256xf32> to vector<64x256xf32>
    %sub3A_251 = arith.subf %sub3A_250, %dot_general3A_195 : vector<64x256xf32>
    %sub3A_252 = arith.subf %sub3A_251, %slice3A_192 : vector<64x256xf32>
    %add3A_253 = vector.broadcast %slice3A_196 : vector<64x1xf32> to vector<64x256xf32>
    %add3A_254 = arith.addf %sub3A_252, %add3A_253 : vector<64x256xf32>
    %mul3A_255 = arith.constant 2.000000e+00 : f32
    %mul3A_256 = vector.broadcast %mul3A_255 : f32 to vector<64x256xf32>
    %mul3A_257 = arith.mulf %mul3A_256, %dot_general3A_195 : vector<64x256xf32>
    %sub3A_258 = vector.broadcast %dot_general3A_153 : vector<1x256xf32> to vector<64x256xf32>
    %sub3A_259 = arith.subf %sub3A_258, %mul3A_257 : vector<64x256xf32>
    %add3A_260 = vector.broadcast %slice3A_196 : vector<64x1xf32> to vector<64x256xf32>
    %add3A_261 = arith.addf %sub3A_259, %add3A_260 : vector<64x256xf32>
    %mul3A_262 = arith.constant 2.000000e+00 : f32
    %mul3A_263 = vector.broadcast %mul3A_262 : f32 to vector<64x256xf32>
    %mul3A_264 = arith.mulf %mul3A_263, %slice3A_192 : vector<64x256xf32>
    %sub3A_265 = vector.broadcast %add3A_134 : vector<1x256xf32> to vector<64x256xf32>
    %sub3A_266 = arith.subf %sub3A_265, %mul3A_264 : vector<64x256xf32>
    %add3A_267 = vector.broadcast %slice3A_196 : vector<64x1xf32> to vector<64x256xf32>
    %add3A_268 = arith.addf %sub3A_266, %add3A_267 : vector<64x256xf32>
    %sqrt3A_269 = math.sqrt %add3A_261 : vector<64x256xf32>
    %max3A_270 = arith.constant 9.99999993E-9 : f32
    %max3A_271 = vector.broadcast %max3A_270 : f32 to vector<64x256xf32>
    %max3A_272 = arith.maximumf %sqrt3A_269, %max3A_271 : vector<64x256xf32>
    %sqrt3A_273 = math.sqrt %add3A_268 : vector<64x256xf32>
    %max3A_274 = arith.constant 9.99999993E-9 : f32
    %max3A_275 = vector.broadcast %max3A_274 : f32 to vector<64x256xf32>
    %max3A_276 = arith.maximumf %sqrt3A_273, %max3A_275 : vector<64x256xf32>
    %mul3A_277 = arith.mulf %max3A_272, %max3A_276 : vector<64x256xf32>
    %div3A_278 = arith.divf %add3A_254, %mul3A_277 : vector<64x256xf32>
    %slice3A_279 = vector.extract_strided_slice %add3A_51 {offsets = [0, 0], sizes = [64, 256], strides = [1, 1]} : vector<192x256xf32> to vector<64x256xf32>
    %slice3A_280 = vector.extract_strided_slice %add3A_118 {offsets = [0, 0], sizes = [64, 64], strides = [1, 1]} : vector<192x64xf32> to vector<64x64xf32>
    %dot_general3A_281 = arith.constant dense<0.000000e+00> : vector<64x256xf32>
    %dot_general3A_282 = tpu.matmul %slice3A_280, %get3A_23, %dot_general3A_281 {dimension_numbers = #tpu.dot_dimension_numbers<[1], [0], [0], [1], [0, 0, 1, 1], [], []>, precision = #tpu.contract_precision<fp32>, transpose_lhs_hint = false} : vector<64x64xf32>, vector<64x256xf32>, vector<64x256xf32> -> vector<64x256xf32>
    %slice3A_283 = vector.extract_strided_slice %broadcast_in_dim3A_183 {offsets = [0, 0], sizes = [64, 1], strides = [1, 1]} : vector<192x1xf32> to vector<64x1xf32>
    %sub3A_284 = arith.subf %slice3A_279, %dot_general3A_282 : vector<64x256xf32>
    %sub3A_285 = vector.broadcast %broadcast_in_dim3A_191 : vector<1x256xf32> to vector<64x256xf32>
    %sub3A_286 = arith.subf %sub3A_284, %sub3A_285 : vector<64x256xf32>
    %add3A_287 = vector.broadcast %dot_general3A_174 : vector<1x256xf32> to vector<64x256xf32>
    %add3A_288 = arith.addf %sub3A_286, %add3A_287 : vector<64x256xf32>
    %mul3A_289 = arith.constant 2.000000e+00 : f32
    %mul3A_290 = vector.broadcast %mul3A_289 : f32 to vector<64x256xf32>
    %mul3A_291 = arith.mulf %mul3A_290, %dot_general3A_282 : vector<64x256xf32>
    %sub3A_292 = vector.broadcast %slice3A_283 : vector<64x1xf32> to vector<64x256xf32>
    %sub3A_293 = arith.subf %sub3A_292, %mul3A_291 : vector<64x256xf32>
    %add3A_294 = vector.broadcast %dot_general3A_174 : vector<1x256xf32> to vector<64x256xf32>
    %add3A_295 = arith.addf %sub3A_293, %add3A_294 : vector<64x256xf32>
    %mul3A_296 = arith.constant 2.000000e+00 : f32
    %mul3A_297 = vector.broadcast %mul3A_296 : f32 to vector<1x256xf32>
    %mul3A_298 = arith.mulf %mul3A_297, %broadcast_in_dim3A_191 : vector<1x256xf32>
    %sub3A_299 = arith.subf %add3A_134, %mul3A_298 : vector<1x256xf32>
    %add3A_300 = arith.addf %sub3A_299, %dot_general3A_174 : vector<1x256xf32>
    %sqrt3A_301 = math.sqrt %add3A_295 : vector<64x256xf32>
    %max3A_302 = arith.constant 9.99999993E-9 : f32
    %max3A_303 = vector.broadcast %max3A_302 : f32 to vector<64x256xf32>
    %max3A_304 = arith.maximumf %sqrt3A_301, %max3A_303 : vector<64x256xf32>
    %sqrt3A_305 = math.sqrt %add3A_300 : vector<1x256xf32>
    %max3A_306 = arith.constant 9.99999993E-9 : f32
    %max3A_307 = vector.broadcast %max3A_306 : f32 to vector<1x256xf32>
    %max3A_308 = arith.maximumf %sqrt3A_305, %max3A_307 : vector<1x256xf32>
    %mul3A_309 = vector.broadcast %max3A_308 : vector<1x256xf32> to vector<64x256xf32>
    %mul3A_310 = arith.mulf %max3A_304, %mul3A_309 : vector<64x256xf32>
    %div3A_311 = arith.divf %add3A_288, %mul3A_310 : vector<64x256xf32>
    %sub3A_312 = vector.broadcast %broadcast_in_dim3A_191 : vector<1x256xf32> to vector<64x256xf32>
    %sub3A_313 = arith.subf %dot_general3A_282, %sub3A_312 : vector<64x256xf32>
    %sub3A_314 = arith.subf %sub3A_313, %slice3A_279 : vector<64x256xf32>
    %add3A_315 = vector.broadcast %add3A_134 : vector<1x256xf32> to vector<64x256xf32>
    %add3A_316 = arith.addf %sub3A_314, %add3A_315 : vector<64x256xf32>
    %mul3A_317 = arith.constant 2.000000e+00 : f32
    %mul3A_318 = vector.broadcast %mul3A_317 : f32 to vector<1x256xf32>
    %mul3A_319 = arith.mulf %mul3A_318, %broadcast_in_dim3A_191 : vector<1x256xf32>
    %sub3A_320 = arith.subf %dot_general3A_174, %mul3A_319 : vector<1x256xf32>
    %add3A_321 = arith.addf %sub3A_320, %add3A_134 : vector<1x256xf32>
    %mul3A_322 = arith.constant 2.000000e+00 : f32
    %mul3A_323 = vector.broadcast %mul3A_322 : f32 to vector<64x256xf32>
    %mul3A_324 = arith.mulf %mul3A_323, %slice3A_279 : vector<64x256xf32>
    %sub3A_325 = vector.broadcast %slice3A_283 : vector<64x1xf32> to vector<64x256xf32>
    %sub3A_326 = arith.subf %sub3A_325, %mul3A_324 : vector<64x256xf32>
    %add3A_327 = vector.broadcast %add3A_134 : vector<1x256xf32> to vector<64x256xf32>
    %add3A_328 = arith.addf %sub3A_326, %add3A_327 : vector<64x256xf32>
    %sqrt3A_329 = math.sqrt %add3A_321 : vector<1x256xf32>
    %max3A_330 = arith.constant 9.99999993E-9 : f32
    %max3A_331 = vector.broadcast %max3A_330 : f32 to vector<1x256xf32>
    %max3A_332 = arith.maximumf %sqrt3A_329, %max3A_331 : vector<1x256xf32>
    %sqrt3A_333 = math.sqrt %add3A_328 : vector<64x256xf32>
    %max3A_334 = arith.constant 9.99999993E-9 : f32
    %max3A_335 = vector.broadcast %max3A_334 : f32 to vector<64x256xf32>
    %max3A_336 = arith.maximumf %sqrt3A_333, %max3A_335 : vector<64x256xf32>
    %mul3A_337 = vector.broadcast %max3A_332 : vector<1x256xf32> to vector<64x256xf32>
    %mul3A_338 = arith.mulf %mul3A_337, %max3A_336 : vector<64x256xf32>
    %div3A_339 = arith.divf %add3A_316, %mul3A_338 : vector<64x256xf32>
    %sub3A_340 = vector.broadcast %broadcast_in_dim3A_191 : vector<1x256xf32> to vector<64x256xf32>
    %sub3A_341 = arith.subf %sub3A_340, %dot_general3A_282 : vector<64x256xf32>
    %sub3A_342 = arith.subf %sub3A_341, %slice3A_279 : vector<64x256xf32>
    %add3A_343 = vector.broadcast %slice3A_283 : vector<64x1xf32> to vector<64x256xf32>
    %add3A_344 = arith.addf %sub3A_342, %add3A_343 : vector<64x256xf32>
    %mul3A_345 = arith.constant 2.000000e+00 : f32
    %mul3A_346 = vector.broadcast %mul3A_345 : f32 to vector<64x256xf32>
    %mul3A_347 = arith.mulf %mul3A_346, %dot_general3A_282 : vector<64x256xf32>
    %sub3A_348 = vector.broadcast %dot_general3A_174 : vector<1x256xf32> to vector<64x256xf32>
    %sub3A_349 = arith.subf %sub3A_348, %mul3A_347 : vector<64x256xf32>
    %add3A_350 = vector.broadcast %slice3A_283 : vector<64x1xf32> to vector<64x256xf32>
    %add3A_351 = arith.addf %sub3A_349, %add3A_350 : vector<64x256xf32>
    %mul3A_352 = arith.constant 2.000000e+00 : f32
    %mul3A_353 = vector.broadcast %mul3A_352 : f32 to vector<64x256xf32>
    %mul3A_354 = arith.mulf %mul3A_353, %slice3A_279 : vector<64x256xf32>
    %sub3A_355 = vector.broadcast %add3A_134 : vector<1x256xf32> to vector<64x256xf32>
    %sub3A_356 = arith.subf %sub3A_355, %mul3A_354 : vector<64x256xf32>
    %add3A_357 = vector.broadcast %slice3A_283 : vector<64x1xf32> to vector<64x256xf32>
    %add3A_358 = arith.addf %sub3A_356, %add3A_357 : vector<64x256xf32>
    %sqrt3A_359 = math.sqrt %add3A_351 : vector<64x256xf32>
    %max3A_360 = arith.constant 9.99999993E-9 : f32
    %max3A_361 = vector.broadcast %max3A_360 : f32 to vector<64x256xf32>
    %max3A_362 = arith.maximumf %sqrt3A_359, %max3A_361 : vector<64x256xf32>
    %sqrt3A_363 = math.sqrt %add3A_358 : vector<64x256xf32>
    %max3A_364 = arith.constant 9.99999993E-9 : f32
    %max3A_365 = vector.broadcast %max3A_364 : f32 to vector<64x256xf32>
    %max3A_366 = arith.maximumf %sqrt3A_363, %max3A_365 : vector<64x256xf32>
    %mul3A_367 = arith.mulf %max3A_362, %max3A_366 : vector<64x256xf32>
    %div3A_368 = arith.divf %add3A_344, %mul3A_367 : vector<64x256xf32>
    %sub3A_369 = arith.subf %div3A_311, %div3A : vector<64x256xf32>
    %abs3A = math.absf %sub3A_369 : vector<64x256xf32>
    %lt3A = arith.constant 1.000000e+00 : f32
    %lt3A_370 = vector.broadcast %lt3A : f32 to vector<64x256xf32>
    %lt3A_371 = arith.cmpf olt, %abs3A, %lt3A_370 : vector<64x256xf32>
    %mul3A_372 = arith.constant 5.000000e-01 : f32
    %mul3A_373 = vector.broadcast %mul3A_372 : f32 to vector<64x256xf32>
    %mul3A_374 = arith.mulf %mul3A_373, %abs3A : vector<64x256xf32>
    %mul3A_375 = arith.mulf %mul3A_374, %abs3A : vector<64x256xf32>
    %sub3A_376 = arith.constant 5.000000e-01 : f32
    %sub3A_377 = vector.broadcast %sub3A_376 : f32 to vector<64x256xf32>
    %sub3A_378 = arith.subf %abs3A, %sub3A_377 : vector<64x256xf32>
    %select_n3A = arith.select %lt3A_371, %mul3A_375, %sub3A_378 : vector<64x256xi1>, vector<64x256xf32>
    %reduce_sum3A_379 = vector.shape_cast %select_n3A : vector<64x256xf32> to vector<1x64x256xf32>
    %reduce_sum3A_380 = arith.constant dense<0.000000e+00> : vector<1xf32>
    %reduce_sum3A_381 = vector.multi_reduction <add>, %reduce_sum3A_379, %reduce_sum3A_380 [1, 2] : vector<1x64x256xf32> to vector<1xf32>
    %reduce_sum3A_382 = vector.shape_cast %reduce_sum3A_381 : vector<1xf32> to vector<1x1x1xf32>
    %reduce_sum3A_383 = vector.extract %reduce_sum3A_382[0, 0, 0] : f32 from vector<1x1x1xf32>
    %add3A_384 = arith.constant 0.000000e+00 : f32
    %add3A_385 = arith.addf %add3A_384, %reduce_sum3A_383 : f32
    %sub3A_386 = arith.subf %div3A_339, %div3A_249 : vector<64x256xf32>
    %abs3A_387 = math.absf %sub3A_386 : vector<64x256xf32>
    %lt3A_388 = arith.constant 1.000000e+00 : f32
    %lt3A_389 = vector.broadcast %lt3A_388 : f32 to vector<64x256xf32>
    %lt3A_390 = arith.cmpf olt, %abs3A_387, %lt3A_389 : vector<64x256xf32>
    %mul3A_391 = arith.constant 5.000000e-01 : f32
    %mul3A_392 = vector.broadcast %mul3A_391 : f32 to vector<64x256xf32>
    %mul3A_393 = arith.mulf %mul3A_392, %abs3A_387 : vector<64x256xf32>
    %mul3A_394 = arith.mulf %mul3A_393, %abs3A_387 : vector<64x256xf32>
    %sub3A_395 = arith.constant 5.000000e-01 : f32
    %sub3A_396 = vector.broadcast %sub3A_395 : f32 to vector<64x256xf32>
    %sub3A_397 = arith.subf %abs3A_387, %sub3A_396 : vector<64x256xf32>
    %select_n3A_398 = arith.select %lt3A_390, %mul3A_394, %sub3A_397 : vector<64x256xi1>, vector<64x256xf32>
    %reduce_sum3A_399 = vector.shape_cast %select_n3A_398 : vector<64x256xf32> to vector<1x64x256xf32>
    %reduce_sum3A_400 = arith.constant dense<0.000000e+00> : vector<1xf32>
    %reduce_sum3A_401 = vector.multi_reduction <add>, %reduce_sum3A_399, %reduce_sum3A_400 [1, 2] : vector<1x64x256xf32> to vector<1xf32>
    %reduce_sum3A_402 = vector.shape_cast %reduce_sum3A_401 : vector<1xf32> to vector<1x1x1xf32>
    %reduce_sum3A_403 = vector.extract %reduce_sum3A_402[0, 0, 0] : f32 from vector<1x1x1xf32>
    %add3A_404 = arith.addf %add3A_385, %reduce_sum3A_403 : f32
    %sub3A_405 = arith.subf %div3A_368, %div3A_278 : vector<64x256xf32>
    %abs3A_406 = math.absf %sub3A_405 : vector<64x256xf32>
    %lt3A_407 = arith.constant 1.000000e+00 : f32
    %lt3A_408 = vector.broadcast %lt3A_407 : f32 to vector<64x256xf32>
    %lt3A_409 = arith.cmpf olt, %abs3A_406, %lt3A_408 : vector<64x256xf32>
    %mul3A_410 = arith.constant 5.000000e-01 : f32
    %mul3A_411 = vector.broadcast %mul3A_410 : f32 to vector<64x256xf32>
    %mul3A_412 = arith.mulf %mul3A_411, %abs3A_406 : vector<64x256xf32>
    %mul3A_413 = arith.mulf %mul3A_412, %abs3A_406 : vector<64x256xf32>
    %sub3A_414 = arith.constant 5.000000e-01 : f32
    %sub3A_415 = vector.broadcast %sub3A_414 : f32 to vector<64x256xf32>
    %sub3A_416 = arith.subf %abs3A_406, %sub3A_415 : vector<64x256xf32>
    %select_n3A_417 = arith.select %lt3A_409, %mul3A_413, %sub3A_416 : vector<64x256xi1>, vector<64x256xf32>
    %reduce_sum3A_418 = vector.shape_cast %select_n3A_417 : vector<64x256xf32> to vector<1x64x256xf32>
    %reduce_sum3A_419 = arith.constant dense<0.000000e+00> : vector<1xf32>
    %reduce_sum3A_420 = vector.multi_reduction <add>, %reduce_sum3A_418, %reduce_sum3A_419 [1, 2] : vector<1x64x256xf32> to vector<1xf32>
    %reduce_sum3A_421 = vector.shape_cast %reduce_sum3A_420 : vector<1xf32> to vector<1x1x1xf32>
    %reduce_sum3A_422 = vector.extract %reduce_sum3A_421[0, 0, 0] : f32 from vector<1x1x1xf32>
    %add3A_423 = arith.addf %add3A_404, %reduce_sum3A_422 : f32
    %slice3A_424 = vector.extract_strided_slice %add3A_35 {offsets = [64, 0], sizes = [64, 256], strides = [1, 1]} : vector<192x256xf32> to vector<64x256xf32>
    %slice3A_425 = vector.extract_strided_slice %add3A_100 {offsets = [64, 0], sizes = [64, 64], strides = [1, 1]} : vector<192x64xf32> to vector<64x64xf32>
    %dot_general3A_426 = arith.constant dense<0.000000e+00> : vector<64x256xf32>
    %dot_general3A_427 = tpu.matmul %slice3A_425, %get3A_23, %dot_general3A_426 {dimension_numbers = #tpu.dot_dimension_numbers<[1], [0], [0], [1], [0, 0, 1, 1], [], []>, precision = #tpu.contract_precision<fp32>, transpose_lhs_hint = false} : vector<64x64xf32>, vector<64x256xf32>, vector<64x256xf32> -> vector<64x256xf32>
    %slice3A_428 = vector.extract_strided_slice %broadcast_in_dim3A_177 {offsets = [64, 0], sizes = [64, 1], strides = [1, 1]} : vector<192x1xf32> to vector<64x1xf32>
    %sub3A_429 = arith.subf %slice3A_424, %dot_general3A_427 : vector<64x256xf32>
    %sub3A_430 = vector.broadcast %broadcast_in_dim3A_187 : vector<1x256xf32> to vector<64x256xf32>
    %sub3A_431 = arith.subf %sub3A_429, %sub3A_430 : vector<64x256xf32>
    %add3A_432 = vector.broadcast %dot_general3A_153 : vector<1x256xf32> to vector<64x256xf32>
    %add3A_433 = arith.addf %sub3A_431, %add3A_432 : vector<64x256xf32>
    %mul3A_434 = arith.constant 2.000000e+00 : f32
    %mul3A_435 = vector.broadcast %mul3A_434 : f32 to vector<64x256xf32>
    %mul3A_436 = arith.mulf %mul3A_435, %dot_general3A_427 : vector<64x256xf32>
    %sub3A_437 = vector.broadcast %slice3A_428 : vector<64x1xf32> to vector<64x256xf32>
    %sub3A_438 = arith.subf %sub3A_437, %mul3A_436 : vector<64x256xf32>
    %add3A_439 = vector.broadcast %dot_general3A_153 : vector<1x256xf32> to vector<64x256xf32>
    %add3A_440 = arith.addf %sub3A_438, %add3A_439 : vector<64x256xf32>
    %mul3A_441 = arith.constant 2.000000e+00 : f32
    %mul3A_442 = vector.broadcast %mul3A_441 : f32 to vector<1x256xf32>
    %mul3A_443 = arith.mulf %mul3A_442, %broadcast_in_dim3A_187 : vector<1x256xf32>
    %sub3A_444 = arith.subf %add3A_134, %mul3A_443 : vector<1x256xf32>
    %add3A_445 = arith.addf %sub3A_444, %dot_general3A_153 : vector<1x256xf32>
    %sqrt3A_446 = math.sqrt %add3A_440 : vector<64x256xf32>
    %max3A_447 = arith.constant 9.99999993E-9 : f32
    %max3A_448 = vector.broadcast %max3A_447 : f32 to vector<64x256xf32>
    %max3A_449 = arith.maximumf %sqrt3A_446, %max3A_448 : vector<64x256xf32>
    %sqrt3A_450 = math.sqrt %add3A_445 : vector<1x256xf32>
    %max3A_451 = arith.constant 9.99999993E-9 : f32
    %max3A_452 = vector.broadcast %max3A_451 : f32 to vector<1x256xf32>
    %max3A_453 = arith.maximumf %sqrt3A_450, %max3A_452 : vector<1x256xf32>
    %mul3A_454 = vector.broadcast %max3A_453 : vector<1x256xf32> to vector<64x256xf32>
    %mul3A_455 = arith.mulf %max3A_449, %mul3A_454 : vector<64x256xf32>
    %div3A_456 = arith.divf %add3A_433, %mul3A_455 : vector<64x256xf32>
    %sub3A_457 = vector.broadcast %broadcast_in_dim3A_187 : vector<1x256xf32> to vector<64x256xf32>
    %sub3A_458 = arith.subf %dot_general3A_427, %sub3A_457 : vector<64x256xf32>
    %sub3A_459 = arith.subf %sub3A_458, %slice3A_424 : vector<64x256xf32>
    %add3A_460 = vector.broadcast %add3A_134 : vector<1x256xf32> to vector<64x256xf32>
    %add3A_461 = arith.addf %sub3A_459, %add3A_460 : vector<64x256xf32>
    %mul3A_462 = arith.constant 2.000000e+00 : f32
    %mul3A_463 = vector.broadcast %mul3A_462 : f32 to vector<1x256xf32>
    %mul3A_464 = arith.mulf %mul3A_463, %broadcast_in_dim3A_187 : vector<1x256xf32>
    %sub3A_465 = arith.subf %dot_general3A_153, %mul3A_464 : vector<1x256xf32>
    %add3A_466 = arith.addf %sub3A_465, %add3A_134 : vector<1x256xf32>
    %mul3A_467 = arith.constant 2.000000e+00 : f32
    %mul3A_468 = vector.broadcast %mul3A_467 : f32 to vector<64x256xf32>
    %mul3A_469 = arith.mulf %mul3A_468, %slice3A_424 : vector<64x256xf32>
    %sub3A_470 = vector.broadcast %slice3A_428 : vector<64x1xf32> to vector<64x256xf32>
    %sub3A_471 = arith.subf %sub3A_470, %mul3A_469 : vector<64x256xf32>
    %add3A_472 = vector.broadcast %add3A_134 : vector<1x256xf32> to vector<64x256xf32>
    %add3A_473 = arith.addf %sub3A_471, %add3A_472 : vector<64x256xf32>
    %sqrt3A_474 = math.sqrt %add3A_466 : vector<1x256xf32>
    %max3A_475 = arith.constant 9.99999993E-9 : f32
    %max3A_476 = vector.broadcast %max3A_475 : f32 to vector<1x256xf32>
    %max3A_477 = arith.maximumf %sqrt3A_474, %max3A_476 : vector<1x256xf32>
    %sqrt3A_478 = math.sqrt %add3A_473 : vector<64x256xf32>
    %max3A_479 = arith.constant 9.99999993E-9 : f32
    %max3A_480 = vector.broadcast %max3A_479 : f32 to vector<64x256xf32>
    %max3A_481 = arith.maximumf %sqrt3A_478, %max3A_480 : vector<64x256xf32>
    %mul3A_482 = vector.broadcast %max3A_477 : vector<1x256xf32> to vector<64x256xf32>
    %mul3A_483 = arith.mulf %mul3A_482, %max3A_481 : vector<64x256xf32>
    %div3A_484 = arith.divf %add3A_461, %mul3A_483 : vector<64x256xf32>
    %sub3A_485 = vector.broadcast %broadcast_in_dim3A_187 : vector<1x256xf32> to vector<64x256xf32>
    %sub3A_486 = arith.subf %sub3A_485, %dot_general3A_427 : vector<64x256xf32>
    %sub3A_487 = arith.subf %sub3A_486, %slice3A_424 : vector<64x256xf32>
    %add3A_488 = vector.broadcast %slice3A_428 : vector<64x1xf32> to vector<64x256xf32>
    %add3A_489 = arith.addf %sub3A_487, %add3A_488 : vector<64x256xf32>
    %mul3A_490 = arith.constant 2.000000e+00 : f32
    %mul3A_491 = vector.broadcast %mul3A_490 : f32 to vector<64x256xf32>
    %mul3A_492 = arith.mulf %mul3A_491, %dot_general3A_427 : vector<64x256xf32>
    %sub3A_493 = vector.broadcast %dot_general3A_153 : vector<1x256xf32> to vector<64x256xf32>
    %sub3A_494 = arith.subf %sub3A_493, %mul3A_492 : vector<64x256xf32>
    %add3A_495 = vector.broadcast %slice3A_428 : vector<64x1xf32> to vector<64x256xf32>
    %add3A_496 = arith.addf %sub3A_494, %add3A_495 : vector<64x256xf32>
    %mul3A_497 = arith.constant 2.000000e+00 : f32
    %mul3A_498 = vector.broadcast %mul3A_497 : f32 to vector<64x256xf32>
    %mul3A_499 = arith.mulf %mul3A_498, %slice3A_424 : vector<64x256xf32>
    %sub3A_500 = vector.broadcast %add3A_134 : vector<1x256xf32> to vector<64x256xf32>
    %sub3A_501 = arith.subf %sub3A_500, %mul3A_499 : vector<64x256xf32>
    %add3A_502 = vector.broadcast %slice3A_428 : vector<64x1xf32> to vector<64x256xf32>
    %add3A_503 = arith.addf %sub3A_501, %add3A_502 : vector<64x256xf32>
    %sqrt3A_504 = math.sqrt %add3A_496 : vector<64x256xf32>
    %max3A_505 = arith.constant 9.99999993E-9 : f32
    %max3A_506 = vector.broadcast %max3A_505 : f32 to vector<64x256xf32>
    %max3A_507 = arith.maximumf %sqrt3A_504, %max3A_506 : vector<64x256xf32>
    %sqrt3A_508 = math.sqrt %add3A_503 : vector<64x256xf32>
    %max3A_509 = arith.constant 9.99999993E-9 : f32
    %max3A_510 = vector.broadcast %max3A_509 : f32 to vector<64x256xf32>
    %max3A_511 = arith.maximumf %sqrt3A_508, %max3A_510 : vector<64x256xf32>
    %mul3A_512 = arith.mulf %max3A_507, %max3A_511 : vector<64x256xf32>
    %div3A_513 = arith.divf %add3A_489, %mul3A_512 : vector<64x256xf32>
    %slice3A_514 = vector.extract_strided_slice %add3A_51 {offsets = [64, 0], sizes = [64, 256], strides = [1, 1]} : vector<192x256xf32> to vector<64x256xf32>
    %slice3A_515 = vector.extract_strided_slice %add3A_118 {offsets = [64, 0], sizes = [64, 64], strides = [1, 1]} : vector<192x64xf32> to vector<64x64xf32>
    %dot_general3A_516 = arith.constant dense<0.000000e+00> : vector<64x256xf32>
    %dot_general3A_517 = tpu.matmul %slice3A_515, %get3A_23, %dot_general3A_516 {dimension_numbers = #tpu.dot_dimension_numbers<[1], [0], [0], [1], [0, 0, 1, 1], [], []>, precision = #tpu.contract_precision<fp32>, transpose_lhs_hint = false} : vector<64x64xf32>, vector<64x256xf32>, vector<64x256xf32> -> vector<64x256xf32>
    %slice3A_518 = vector.extract_strided_slice %broadcast_in_dim3A_183 {offsets = [64, 0], sizes = [64, 1], strides = [1, 1]} : vector<192x1xf32> to vector<64x1xf32>
    %sub3A_519 = arith.subf %slice3A_514, %dot_general3A_517 : vector<64x256xf32>
    %sub3A_520 = vector.broadcast %broadcast_in_dim3A_191 : vector<1x256xf32> to vector<64x256xf32>
    %sub3A_521 = arith.subf %sub3A_519, %sub3A_520 : vector<64x256xf32>
    %add3A_522 = vector.broadcast %dot_general3A_174 : vector<1x256xf32> to vector<64x256xf32>
    %add3A_523 = arith.addf %sub3A_521, %add3A_522 : vector<64x256xf32>
    %mul3A_524 = arith.constant 2.000000e+00 : f32
    %mul3A_525 = vector.broadcast %mul3A_524 : f32 to vector<64x256xf32>
    %mul3A_526 = arith.mulf %mul3A_525, %dot_general3A_517 : vector<64x256xf32>
    %sub3A_527 = vector.broadcast %slice3A_518 : vector<64x1xf32> to vector<64x256xf32>
    %sub3A_528 = arith.subf %sub3A_527, %mul3A_526 : vector<64x256xf32>
    %add3A_529 = vector.broadcast %dot_general3A_174 : vector<1x256xf32> to vector<64x256xf32>
    %add3A_530 = arith.addf %sub3A_528, %add3A_529 : vector<64x256xf32>
    %mul3A_531 = arith.constant 2.000000e+00 : f32
    %mul3A_532 = vector.broadcast %mul3A_531 : f32 to vector<1x256xf32>
    %mul3A_533 = arith.mulf %mul3A_532, %broadcast_in_dim3A_191 : vector<1x256xf32>
    %sub3A_534 = arith.subf %add3A_134, %mul3A_533 : vector<1x256xf32>
    %add3A_535 = arith.addf %sub3A_534, %dot_general3A_174 : vector<1x256xf32>
    %sqrt3A_536 = math.sqrt %add3A_530 : vector<64x256xf32>
    %max3A_537 = arith.constant 9.99999993E-9 : f32
    %max3A_538 = vector.broadcast %max3A_537 : f32 to vector<64x256xf32>
    %max3A_539 = arith.maximumf %sqrt3A_536, %max3A_538 : vector<64x256xf32>
    %sqrt3A_540 = math.sqrt %add3A_535 : vector<1x256xf32>
    %max3A_541 = arith.constant 9.99999993E-9 : f32
    %max3A_542 = vector.broadcast %max3A_541 : f32 to vector<1x256xf32>
    %max3A_543 = arith.maximumf %sqrt3A_540, %max3A_542 : vector<1x256xf32>
    %mul3A_544 = vector.broadcast %max3A_543 : vector<1x256xf32> to vector<64x256xf32>
    %mul3A_545 = arith.mulf %max3A_539, %mul3A_544 : vector<64x256xf32>
    %div3A_546 = arith.divf %add3A_523, %mul3A_545 : vector<64x256xf32>
    %sub3A_547 = vector.broadcast %broadcast_in_dim3A_191 : vector<1x256xf32> to vector<64x256xf32>
    %sub3A_548 = arith.subf %dot_general3A_517, %sub3A_547 : vector<64x256xf32>
    %sub3A_549 = arith.subf %sub3A_548, %slice3A_514 : vector<64x256xf32>
    %add3A_550 = vector.broadcast %add3A_134 : vector<1x256xf32> to vector<64x256xf32>
    %add3A_551 = arith.addf %sub3A_549, %add3A_550 : vector<64x256xf32>
    %mul3A_552 = arith.constant 2.000000e+00 : f32
    %mul3A_553 = vector.broadcast %mul3A_552 : f32 to vector<1x256xf32>
    %mul3A_554 = arith.mulf %mul3A_553, %broadcast_in_dim3A_191 : vector<1x256xf32>
    %sub3A_555 = arith.subf %dot_general3A_174, %mul3A_554 : vector<1x256xf32>
    %add3A_556 = arith.addf %sub3A_555, %add3A_134 : vector<1x256xf32>
    %mul3A_557 = arith.constant 2.000000e+00 : f32
    %mul3A_558 = vector.broadcast %mul3A_557 : f32 to vector<64x256xf32>
    %mul3A_559 = arith.mulf %mul3A_558, %slice3A_514 : vector<64x256xf32>
    %sub3A_560 = vector.broadcast %slice3A_518 : vector<64x1xf32> to vector<64x256xf32>
    %sub3A_561 = arith.subf %sub3A_560, %mul3A_559 : vector<64x256xf32>
    %add3A_562 = vector.broadcast %add3A_134 : vector<1x256xf32> to vector<64x256xf32>
    %add3A_563 = arith.addf %sub3A_561, %add3A_562 : vector<64x256xf32>
    %sqrt3A_564 = math.sqrt %add3A_556 : vector<1x256xf32>
    %max3A_565 = arith.constant 9.99999993E-9 : f32
    %max3A_566 = vector.broadcast %max3A_565 : f32 to vector<1x256xf32>
    %max3A_567 = arith.maximumf %sqrt3A_564, %max3A_566 : vector<1x256xf32>
    %sqrt3A_568 = math.sqrt %add3A_563 : vector<64x256xf32>
    %max3A_569 = arith.constant 9.99999993E-9 : f32
    %max3A_570 = vector.broadcast %max3A_569 : f32 to vector<64x256xf32>
    %max3A_571 = arith.maximumf %sqrt3A_568, %max3A_570 : vector<64x256xf32>
    %mul3A_572 = vector.broadcast %max3A_567 : vector<1x256xf32> to vector<64x256xf32>
    %mul3A_573 = arith.mulf %mul3A_572, %max3A_571 : vector<64x256xf32>
    %div3A_574 = arith.divf %add3A_551, %mul3A_573 : vector<64x256xf32>
    %sub3A_575 = vector.broadcast %broadcast_in_dim3A_191 : vector<1x256xf32> to vector<64x256xf32>
    %sub3A_576 = arith.subf %sub3A_575, %dot_general3A_517 : vector<64x256xf32>
    %sub3A_577 = arith.subf %sub3A_576, %slice3A_514 : vector<64x256xf32>
    %add3A_578 = vector.broadcast %slice3A_518 : vector<64x1xf32> to vector<64x256xf32>
    %add3A_579 = arith.addf %sub3A_577, %add3A_578 : vector<64x256xf32>
    %mul3A_580 = arith.constant 2.000000e+00 : f32
    %mul3A_581 = vector.broadcast %mul3A_580 : f32 to vector<64x256xf32>
    %mul3A_582 = arith.mulf %mul3A_581, %dot_general3A_517 : vector<64x256xf32>
    %sub3A_583 = vector.broadcast %dot_general3A_174 : vector<1x256xf32> to vector<64x256xf32>
    %sub3A_584 = arith.subf %sub3A_583, %mul3A_582 : vector<64x256xf32>
    %add3A_585 = vector.broadcast %slice3A_518 : vector<64x1xf32> to vector<64x256xf32>
    %add3A_586 = arith.addf %sub3A_584, %add3A_585 : vector<64x256xf32>
    %mul3A_587 = arith.constant 2.000000e+00 : f32
    %mul3A_588 = vector.broadcast %mul3A_587 : f32 to vector<64x256xf32>
    %mul3A_589 = arith.mulf %mul3A_588, %slice3A_514 : vector<64x256xf32>
    %sub3A_590 = vector.broadcast %add3A_134 : vector<1x256xf32> to vector<64x256xf32>
    %sub3A_591 = arith.subf %sub3A_590, %mul3A_589 : vector<64x256xf32>
    %add3A_592 = vector.broadcast %slice3A_518 : vector<64x1xf32> to vector<64x256xf32>
    %add3A_593 = arith.addf %sub3A_591, %add3A_592 : vector<64x256xf32>
    %sqrt3A_594 = math.sqrt %add3A_586 : vector<64x256xf32>
    %max3A_595 = arith.constant 9.99999993E-9 : f32
    %max3A_596 = vector.broadcast %max3A_595 : f32 to vector<64x256xf32>
    %max3A_597 = arith.maximumf %sqrt3A_594, %max3A_596 : vector<64x256xf32>
    %sqrt3A_598 = math.sqrt %add3A_593 : vector<64x256xf32>
    %max3A_599 = arith.constant 9.99999993E-9 : f32
    %max3A_600 = vector.broadcast %max3A_599 : f32 to vector<64x256xf32>
    %max3A_601 = arith.maximumf %sqrt3A_598, %max3A_600 : vector<64x256xf32>
    %mul3A_602 = arith.mulf %max3A_597, %max3A_601 : vector<64x256xf32>
    %div3A_603 = arith.divf %add3A_579, %mul3A_602 : vector<64x256xf32>
    %sub3A_604 = arith.subf %div3A_546, %div3A_456 : vector<64x256xf32>
    %abs3A_605 = math.absf %sub3A_604 : vector<64x256xf32>
    %lt3A_606 = arith.constant 1.000000e+00 : f32
    %lt3A_607 = vector.broadcast %lt3A_606 : f32 to vector<64x256xf32>
    %lt3A_608 = arith.cmpf olt, %abs3A_605, %lt3A_607 : vector<64x256xf32>
    %mul3A_609 = arith.constant 5.000000e-01 : f32
    %mul3A_610 = vector.broadcast %mul3A_609 : f32 to vector<64x256xf32>
    %mul3A_611 = arith.mulf %mul3A_610, %abs3A_605 : vector<64x256xf32>
    %mul3A_612 = arith.mulf %mul3A_611, %abs3A_605 : vector<64x256xf32>
    %sub3A_613 = arith.constant 5.000000e-01 : f32
    %sub3A_614 = vector.broadcast %sub3A_613 : f32 to vector<64x256xf32>
    %sub3A_615 = arith.subf %abs3A_605, %sub3A_614 : vector<64x256xf32>
    %select_n3A_616 = arith.select %lt3A_608, %mul3A_612, %sub3A_615 : vector<64x256xi1>, vector<64x256xf32>
    %reduce_sum3A_617 = vector.shape_cast %select_n3A_616 : vector<64x256xf32> to vector<1x64x256xf32>
    %reduce_sum3A_618 = arith.constant dense<0.000000e+00> : vector<1xf32>
    %reduce_sum3A_619 = vector.multi_reduction <add>, %reduce_sum3A_617, %reduce_sum3A_618 [1, 2] : vector<1x64x256xf32> to vector<1xf32>
    %reduce_sum3A_620 = vector.shape_cast %reduce_sum3A_619 : vector<1xf32> to vector<1x1x1xf32>
    %reduce_sum3A_621 = vector.extract %reduce_sum3A_620[0, 0, 0] : f32 from vector<1x1x1xf32>
    %add3A_622 = arith.addf %add3A_423, %reduce_sum3A_621 : f32
    %sub3A_623 = arith.subf %div3A_574, %div3A_484 : vector<64x256xf32>
    %abs3A_624 = math.absf %sub3A_623 : vector<64x256xf32>
    %lt3A_625 = arith.constant 1.000000e+00 : f32
    %lt3A_626 = vector.broadcast %lt3A_625 : f32 to vector<64x256xf32>
    %lt3A_627 = arith.cmpf olt, %abs3A_624, %lt3A_626 : vector<64x256xf32>
    %mul3A_628 = arith.constant 5.000000e-01 : f32
    %mul3A_629 = vector.broadcast %mul3A_628 : f32 to vector<64x256xf32>
    %mul3A_630 = arith.mulf %mul3A_629, %abs3A_624 : vector<64x256xf32>
    %mul3A_631 = arith.mulf %mul3A_630, %abs3A_624 : vector<64x256xf32>
    %sub3A_632 = arith.constant 5.000000e-01 : f32
    %sub3A_633 = vector.broadcast %sub3A_632 : f32 to vector<64x256xf32>
    %sub3A_634 = arith.subf %abs3A_624, %sub3A_633 : vector<64x256xf32>
    %select_n3A_635 = arith.select %lt3A_627, %mul3A_631, %sub3A_634 : vector<64x256xi1>, vector<64x256xf32>
    %reduce_sum3A_636 = vector.shape_cast %select_n3A_635 : vector<64x256xf32> to vector<1x64x256xf32>
    %reduce_sum3A_637 = arith.constant dense<0.000000e+00> : vector<1xf32>
    %reduce_sum3A_638 = vector.multi_reduction <add>, %reduce_sum3A_636, %reduce_sum3A_637 [1, 2] : vector<1x64x256xf32> to vector<1xf32>
    %reduce_sum3A_639 = vector.shape_cast %reduce_sum3A_638 : vector<1xf32> to vector<1x1x1xf32>
    %reduce_sum3A_640 = vector.extract %reduce_sum3A_639[0, 0, 0] : f32 from vector<1x1x1xf32>
    %add3A_641 = arith.addf %add3A_622, %reduce_sum3A_640 : f32
    %sub3A_642 = arith.subf %div3A_603, %div3A_513 : vector<64x256xf32>
    %abs3A_643 = math.absf %sub3A_642 : vector<64x256xf32>
    %lt3A_644 = arith.constant 1.000000e+00 : f32
    %lt3A_645 = vector.broadcast %lt3A_644 : f32 to vector<64x256xf32>
    %lt3A_646 = arith.cmpf olt, %abs3A_643, %lt3A_645 : vector<64x256xf32>
    %mul3A_647 = arith.constant 5.000000e-01 : f32
    %mul3A_648 = vector.broadcast %mul3A_647 : f32 to vector<64x256xf32>
    %mul3A_649 = arith.mulf %mul3A_648, %abs3A_643 : vector<64x256xf32>
    %mul3A_650 = arith.mulf %mul3A_649, %abs3A_643 : vector<64x256xf32>
    %sub3A_651 = arith.constant 5.000000e-01 : f32
    %sub3A_652 = vector.broadcast %sub3A_651 : f32 to vector<64x256xf32>
    %sub3A_653 = arith.subf %abs3A_643, %sub3A_652 : vector<64x256xf32>
    %select_n3A_654 = arith.select %lt3A_646, %mul3A_650, %sub3A_653 : vector<64x256xi1>, vector<64x256xf32>
    %reduce_sum3A_655 = vector.shape_cast %select_n3A_654 : vector<64x256xf32> to vector<1x64x256xf32>
    %reduce_sum3A_656 = arith.constant dense<0.000000e+00> : vector<1xf32>
    %reduce_sum3A_657 = vector.multi_reduction <add>, %reduce_sum3A_655, %reduce_sum3A_656 [1, 2] : vector<1x64x256xf32> to vector<1xf32>
    %reduce_sum3A_658 = vector.shape_cast %reduce_sum3A_657 : vector<1xf32> to vector<1x1x1xf32>
    %reduce_sum3A_659 = vector.extract %reduce_sum3A_658[0, 0, 0] : f32 from vector<1x1x1xf32>
    %add3A_660 = arith.addf %add3A_641, %reduce_sum3A_659 : f32
    %slice3A_661 = vector.extract_strided_slice %add3A_35 {offsets = [128, 0], sizes = [64, 256], strides = [1, 1]} : vector<192x256xf32> to vector<64x256xf32>
    %slice3A_662 = vector.extract_strided_slice %add3A_100 {offsets = [128, 0], sizes = [64, 64], strides = [1, 1]} : vector<192x64xf32> to vector<64x64xf32>
    %dot_general3A_663 = arith.constant dense<0.000000e+00> : vector<64x256xf32>
    %dot_general3A_664 = tpu.matmul %slice3A_662, %get3A_23, %dot_general3A_663 {dimension_numbers = #tpu.dot_dimension_numbers<[1], [0], [0], [1], [0, 0, 1, 1], [], []>, precision = #tpu.contract_precision<fp32>, transpose_lhs_hint = false} : vector<64x64xf32>, vector<64x256xf32>, vector<64x256xf32> -> vector<64x256xf32>
    %slice3A_665 = vector.extract_strided_slice %broadcast_in_dim3A_177 {offsets = [128, 0], sizes = [64, 1], strides = [1, 1]} : vector<192x1xf32> to vector<64x1xf32>
    %sub3A_666 = arith.subf %slice3A_661, %dot_general3A_664 : vector<64x256xf32>
    %sub3A_667 = vector.broadcast %broadcast_in_dim3A_187 : vector<1x256xf32> to vector<64x256xf32>
    %sub3A_668 = arith.subf %sub3A_666, %sub3A_667 : vector<64x256xf32>
    %add3A_669 = vector.broadcast %dot_general3A_153 : vector<1x256xf32> to vector<64x256xf32>
    %add3A_670 = arith.addf %sub3A_668, %add3A_669 : vector<64x256xf32>
    %mul3A_671 = arith.constant 2.000000e+00 : f32
    %mul3A_672 = vector.broadcast %mul3A_671 : f32 to vector<64x256xf32>
    %mul3A_673 = arith.mulf %mul3A_672, %dot_general3A_664 : vector<64x256xf32>
    %sub3A_674 = vector.broadcast %slice3A_665 : vector<64x1xf32> to vector<64x256xf32>
    %sub3A_675 = arith.subf %sub3A_674, %mul3A_673 : vector<64x256xf32>
    %add3A_676 = vector.broadcast %dot_general3A_153 : vector<1x256xf32> to vector<64x256xf32>
    %add3A_677 = arith.addf %sub3A_675, %add3A_676 : vector<64x256xf32>
    %mul3A_678 = arith.constant 2.000000e+00 : f32
    %mul3A_679 = vector.broadcast %mul3A_678 : f32 to vector<1x256xf32>
    %mul3A_680 = arith.mulf %mul3A_679, %broadcast_in_dim3A_187 : vector<1x256xf32>
    %sub3A_681 = arith.subf %add3A_134, %mul3A_680 : vector<1x256xf32>
    %add3A_682 = arith.addf %sub3A_681, %dot_general3A_153 : vector<1x256xf32>
    %sqrt3A_683 = math.sqrt %add3A_677 : vector<64x256xf32>
    %max3A_684 = arith.constant 9.99999993E-9 : f32
    %max3A_685 = vector.broadcast %max3A_684 : f32 to vector<64x256xf32>
    %max3A_686 = arith.maximumf %sqrt3A_683, %max3A_685 : vector<64x256xf32>
    %sqrt3A_687 = math.sqrt %add3A_682 : vector<1x256xf32>
    %max3A_688 = arith.constant 9.99999993E-9 : f32
    %max3A_689 = vector.broadcast %max3A_688 : f32 to vector<1x256xf32>
    %max3A_690 = arith.maximumf %sqrt3A_687, %max3A_689 : vector<1x256xf32>
    %mul3A_691 = vector.broadcast %max3A_690 : vector<1x256xf32> to vector<64x256xf32>
    %mul3A_692 = arith.mulf %max3A_686, %mul3A_691 : vector<64x256xf32>
    %div3A_693 = arith.divf %add3A_670, %mul3A_692 : vector<64x256xf32>
    %sub3A_694 = vector.broadcast %broadcast_in_dim3A_187 : vector<1x256xf32> to vector<64x256xf32>
    %sub3A_695 = arith.subf %dot_general3A_664, %sub3A_694 : vector<64x256xf32>
    %sub3A_696 = arith.subf %sub3A_695, %slice3A_661 : vector<64x256xf32>
    %add3A_697 = vector.broadcast %add3A_134 : vector<1x256xf32> to vector<64x256xf32>
    %add3A_698 = arith.addf %sub3A_696, %add3A_697 : vector<64x256xf32>
    %mul3A_699 = arith.constant 2.000000e+00 : f32
    %mul3A_700 = vector.broadcast %mul3A_699 : f32 to vector<1x256xf32>
    %mul3A_701 = arith.mulf %mul3A_700, %broadcast_in_dim3A_187 : vector<1x256xf32>
    %sub3A_702 = arith.subf %dot_general3A_153, %mul3A_701 : vector<1x256xf32>
    %add3A_703 = arith.addf %sub3A_702, %add3A_134 : vector<1x256xf32>
    %mul3A_704 = arith.constant 2.000000e+00 : f32
    %mul3A_705 = vector.broadcast %mul3A_704 : f32 to vector<64x256xf32>
    %mul3A_706 = arith.mulf %mul3A_705, %slice3A_661 : vector<64x256xf32>
    %sub3A_707 = vector.broadcast %slice3A_665 : vector<64x1xf32> to vector<64x256xf32>
    %sub3A_708 = arith.subf %sub3A_707, %mul3A_706 : vector<64x256xf32>
    %add3A_709 = vector.broadcast %add3A_134 : vector<1x256xf32> to vector<64x256xf32>
    %add3A_710 = arith.addf %sub3A_708, %add3A_709 : vector<64x256xf32>
    %sqrt3A_711 = math.sqrt %add3A_703 : vector<1x256xf32>
    %max3A_712 = arith.constant 9.99999993E-9 : f32
    %max3A_713 = vector.broadcast %max3A_712 : f32 to vector<1x256xf32>
    %max3A_714 = arith.maximumf %sqrt3A_711, %max3A_713 : vector<1x256xf32>
    %sqrt3A_715 = math.sqrt %add3A_710 : vector<64x256xf32>
    %max3A_716 = arith.constant 9.99999993E-9 : f32
    %max3A_717 = vector.broadcast %max3A_716 : f32 to vector<64x256xf32>
    %max3A_718 = arith.maximumf %sqrt3A_715, %max3A_717 : vector<64x256xf32>
    %mul3A_719 = vector.broadcast %max3A_714 : vector<1x256xf32> to vector<64x256xf32>
    %mul3A_720 = arith.mulf %mul3A_719, %max3A_718 : vector<64x256xf32>
    %div3A_721 = arith.divf %add3A_698, %mul3A_720 : vector<64x256xf32>
    %sub3A_722 = vector.broadcast %broadcast_in_dim3A_187 : vector<1x256xf32> to vector<64x256xf32>
    %sub3A_723 = arith.subf %sub3A_722, %dot_general3A_664 : vector<64x256xf32>
    %sub3A_724 = arith.subf %sub3A_723, %slice3A_661 : vector<64x256xf32>
    %add3A_725 = vector.broadcast %slice3A_665 : vector<64x1xf32> to vector<64x256xf32>
    %add3A_726 = arith.addf %sub3A_724, %add3A_725 : vector<64x256xf32>
    %mul3A_727 = arith.constant 2.000000e+00 : f32
    %mul3A_728 = vector.broadcast %mul3A_727 : f32 to vector<64x256xf32>
    %mul3A_729 = arith.mulf %mul3A_728, %dot_general3A_664 : vector<64x256xf32>
    %sub3A_730 = vector.broadcast %dot_general3A_153 : vector<1x256xf32> to vector<64x256xf32>
    %sub3A_731 = arith.subf %sub3A_730, %mul3A_729 : vector<64x256xf32>
    %add3A_732 = vector.broadcast %slice3A_665 : vector<64x1xf32> to vector<64x256xf32>
    %add3A_733 = arith.addf %sub3A_731, %add3A_732 : vector<64x256xf32>
    %mul3A_734 = arith.constant 2.000000e+00 : f32
    %mul3A_735 = vector.broadcast %mul3A_734 : f32 to vector<64x256xf32>
    %mul3A_736 = arith.mulf %mul3A_735, %slice3A_661 : vector<64x256xf32>
    %sub3A_737 = vector.broadcast %add3A_134 : vector<1x256xf32> to vector<64x256xf32>
    %sub3A_738 = arith.subf %sub3A_737, %mul3A_736 : vector<64x256xf32>
    %add3A_739 = vector.broadcast %slice3A_665 : vector<64x1xf32> to vector<64x256xf32>
    %add3A_740 = arith.addf %sub3A_738, %add3A_739 : vector<64x256xf32>
    %sqrt3A_741 = math.sqrt %add3A_733 : vector<64x256xf32>
    %max3A_742 = arith.constant 9.99999993E-9 : f32
    %max3A_743 = vector.broadcast %max3A_742 : f32 to vector<64x256xf32>
    %max3A_744 = arith.maximumf %sqrt3A_741, %max3A_743 : vector<64x256xf32>
    %sqrt3A_745 = math.sqrt %add3A_740 : vector<64x256xf32>
    %max3A_746 = arith.constant 9.99999993E-9 : f32
    %max3A_747 = vector.broadcast %max3A_746 : f32 to vector<64x256xf32>
    %max3A_748 = arith.maximumf %sqrt3A_745, %max3A_747 : vector<64x256xf32>
    %mul3A_749 = arith.mulf %max3A_744, %max3A_748 : vector<64x256xf32>
    %div3A_750 = arith.divf %add3A_726, %mul3A_749 : vector<64x256xf32>
    %slice3A_751 = vector.extract_strided_slice %add3A_51 {offsets = [128, 0], sizes = [64, 256], strides = [1, 1]} : vector<192x256xf32> to vector<64x256xf32>
    %slice3A_752 = vector.extract_strided_slice %add3A_118 {offsets = [128, 0], sizes = [64, 64], strides = [1, 1]} : vector<192x64xf32> to vector<64x64xf32>
    %dot_general3A_753 = arith.constant dense<0.000000e+00> : vector<64x256xf32>
    %dot_general3A_754 = tpu.matmul %slice3A_752, %get3A_23, %dot_general3A_753 {dimension_numbers = #tpu.dot_dimension_numbers<[1], [0], [0], [1], [0, 0, 1, 1], [], []>, precision = #tpu.contract_precision<fp32>, transpose_lhs_hint = false} : vector<64x64xf32>, vector<64x256xf32>, vector<64x256xf32> -> vector<64x256xf32>
    %slice3A_755 = vector.extract_strided_slice %broadcast_in_dim3A_183 {offsets = [128, 0], sizes = [64, 1], strides = [1, 1]} : vector<192x1xf32> to vector<64x1xf32>
    %sub3A_756 = arith.subf %slice3A_751, %dot_general3A_754 : vector<64x256xf32>
    %sub3A_757 = vector.broadcast %broadcast_in_dim3A_191 : vector<1x256xf32> to vector<64x256xf32>
    %sub3A_758 = arith.subf %sub3A_756, %sub3A_757 : vector<64x256xf32>
    %add3A_759 = vector.broadcast %dot_general3A_174 : vector<1x256xf32> to vector<64x256xf32>
    %add3A_760 = arith.addf %sub3A_758, %add3A_759 : vector<64x256xf32>
    %mul3A_761 = arith.constant 2.000000e+00 : f32
    %mul3A_762 = vector.broadcast %mul3A_761 : f32 to vector<64x256xf32>
    %mul3A_763 = arith.mulf %mul3A_762, %dot_general3A_754 : vector<64x256xf32>
    %sub3A_764 = vector.broadcast %slice3A_755 : vector<64x1xf32> to vector<64x256xf32>
    %sub3A_765 = arith.subf %sub3A_764, %mul3A_763 : vector<64x256xf32>
    %add3A_766 = vector.broadcast %dot_general3A_174 : vector<1x256xf32> to vector<64x256xf32>
    %add3A_767 = arith.addf %sub3A_765, %add3A_766 : vector<64x256xf32>
    %mul3A_768 = arith.constant 2.000000e+00 : f32
    %mul3A_769 = vector.broadcast %mul3A_768 : f32 to vector<1x256xf32>
    %mul3A_770 = arith.mulf %mul3A_769, %broadcast_in_dim3A_191 : vector<1x256xf32>
    %sub3A_771 = arith.subf %add3A_134, %mul3A_770 : vector<1x256xf32>
    %add3A_772 = arith.addf %sub3A_771, %dot_general3A_174 : vector<1x256xf32>
    %sqrt3A_773 = math.sqrt %add3A_767 : vector<64x256xf32>
    %max3A_774 = arith.constant 9.99999993E-9 : f32
    %max3A_775 = vector.broadcast %max3A_774 : f32 to vector<64x256xf32>
    %max3A_776 = arith.maximumf %sqrt3A_773, %max3A_775 : vector<64x256xf32>
    %sqrt3A_777 = math.sqrt %add3A_772 : vector<1x256xf32>
    %max3A_778 = arith.constant 9.99999993E-9 : f32
    %max3A_779 = vector.broadcast %max3A_778 : f32 to vector<1x256xf32>
    %max3A_780 = arith.maximumf %sqrt3A_777, %max3A_779 : vector<1x256xf32>
    %mul3A_781 = vector.broadcast %max3A_780 : vector<1x256xf32> to vector<64x256xf32>
    %mul3A_782 = arith.mulf %max3A_776, %mul3A_781 : vector<64x256xf32>
    %div3A_783 = arith.divf %add3A_760, %mul3A_782 : vector<64x256xf32>
    %sub3A_784 = vector.broadcast %broadcast_in_dim3A_191 : vector<1x256xf32> to vector<64x256xf32>
    %sub3A_785 = arith.subf %dot_general3A_754, %sub3A_784 : vector<64x256xf32>
    %sub3A_786 = arith.subf %sub3A_785, %slice3A_751 : vector<64x256xf32>
    %add3A_787 = vector.broadcast %add3A_134 : vector<1x256xf32> to vector<64x256xf32>
    %add3A_788 = arith.addf %sub3A_786, %add3A_787 : vector<64x256xf32>
    %mul3A_789 = arith.constant 2.000000e+00 : f32
    %mul3A_790 = vector.broadcast %mul3A_789 : f32 to vector<1x256xf32>
    %mul3A_791 = arith.mulf %mul3A_790, %broadcast_in_dim3A_191 : vector<1x256xf32>
    %sub3A_792 = arith.subf %dot_general3A_174, %mul3A_791 : vector<1x256xf32>
    %add3A_793 = arith.addf %sub3A_792, %add3A_134 : vector<1x256xf32>
    %mul3A_794 = arith.constant 2.000000e+00 : f32
    %mul3A_795 = vector.broadcast %mul3A_794 : f32 to vector<64x256xf32>
    %mul3A_796 = arith.mulf %mul3A_795, %slice3A_751 : vector<64x256xf32>
    %sub3A_797 = vector.broadcast %slice3A_755 : vector<64x1xf32> to vector<64x256xf32>
    %sub3A_798 = arith.subf %sub3A_797, %mul3A_796 : vector<64x256xf32>
    %add3A_799 = vector.broadcast %add3A_134 : vector<1x256xf32> to vector<64x256xf32>
    %add3A_800 = arith.addf %sub3A_798, %add3A_799 : vector<64x256xf32>
    %sqrt3A_801 = math.sqrt %add3A_793 : vector<1x256xf32>
    %max3A_802 = arith.constant 9.99999993E-9 : f32
    %max3A_803 = vector.broadcast %max3A_802 : f32 to vector<1x256xf32>
    %max3A_804 = arith.maximumf %sqrt3A_801, %max3A_803 : vector<1x256xf32>
    %sqrt3A_805 = math.sqrt %add3A_800 : vector<64x256xf32>
    %max3A_806 = arith.constant 9.99999993E-9 : f32
    %max3A_807 = vector.broadcast %max3A_806 : f32 to vector<64x256xf32>
    %max3A_808 = arith.maximumf %sqrt3A_805, %max3A_807 : vector<64x256xf32>
    %mul3A_809 = vector.broadcast %max3A_804 : vector<1x256xf32> to vector<64x256xf32>
    %mul3A_810 = arith.mulf %mul3A_809, %max3A_808 : vector<64x256xf32>
    %div3A_811 = arith.divf %add3A_788, %mul3A_810 : vector<64x256xf32>
    %sub3A_812 = vector.broadcast %broadcast_in_dim3A_191 : vector<1x256xf32> to vector<64x256xf32>
    %sub3A_813 = arith.subf %sub3A_812, %dot_general3A_754 : vector<64x256xf32>
    %sub3A_814 = arith.subf %sub3A_813, %slice3A_751 : vector<64x256xf32>
    %add3A_815 = vector.broadcast %slice3A_755 : vector<64x1xf32> to vector<64x256xf32>
    %add3A_816 = arith.addf %sub3A_814, %add3A_815 : vector<64x256xf32>
    %mul3A_817 = arith.constant 2.000000e+00 : f32
    %mul3A_818 = vector.broadcast %mul3A_817 : f32 to vector<64x256xf32>
    %mul3A_819 = arith.mulf %mul3A_818, %dot_general3A_754 : vector<64x256xf32>
    %sub3A_820 = vector.broadcast %dot_general3A_174 : vector<1x256xf32> to vector<64x256xf32>
    %sub3A_821 = arith.subf %sub3A_820, %mul3A_819 : vector<64x256xf32>
    %add3A_822 = vector.broadcast %slice3A_755 : vector<64x1xf32> to vector<64x256xf32>
    %add3A_823 = arith.addf %sub3A_821, %add3A_822 : vector<64x256xf32>
    %mul3A_824 = arith.constant 2.000000e+00 : f32
    %mul3A_825 = vector.broadcast %mul3A_824 : f32 to vector<64x256xf32>
    %mul3A_826 = arith.mulf %mul3A_825, %slice3A_751 : vector<64x256xf32>
    %sub3A_827 = vector.broadcast %add3A_134 : vector<1x256xf32> to vector<64x256xf32>
    %sub3A_828 = arith.subf %sub3A_827, %mul3A_826 : vector<64x256xf32>
    %add3A_829 = vector.broadcast %slice3A_755 : vector<64x1xf32> to vector<64x256xf32>
    %add3A_830 = arith.addf %sub3A_828, %add3A_829 : vector<64x256xf32>
    %sqrt3A_831 = math.sqrt %add3A_823 : vector<64x256xf32>
    %max3A_832 = arith.constant 9.99999993E-9 : f32
    %max3A_833 = vector.broadcast %max3A_832 : f32 to vector<64x256xf32>
    %max3A_834 = arith.maximumf %sqrt3A_831, %max3A_833 : vector<64x256xf32>
    %sqrt3A_835 = math.sqrt %add3A_830 : vector<64x256xf32>
    %max3A_836 = arith.constant 9.99999993E-9 : f32
    %max3A_837 = vector.broadcast %max3A_836 : f32 to vector<64x256xf32>
    %max3A_838 = arith.maximumf %sqrt3A_835, %max3A_837 : vector<64x256xf32>
    %mul3A_839 = arith.mulf %max3A_834, %max3A_838 : vector<64x256xf32>
    %div3A_840 = arith.divf %add3A_816, %mul3A_839 : vector<64x256xf32>
    %sub3A_841 = arith.subf %div3A_783, %div3A_693 : vector<64x256xf32>
    %abs3A_842 = math.absf %sub3A_841 : vector<64x256xf32>
    %lt3A_843 = arith.constant 1.000000e+00 : f32
    %lt3A_844 = vector.broadcast %lt3A_843 : f32 to vector<64x256xf32>
    %lt3A_845 = arith.cmpf olt, %abs3A_842, %lt3A_844 : vector<64x256xf32>
    %mul3A_846 = arith.constant 5.000000e-01 : f32
    %mul3A_847 = vector.broadcast %mul3A_846 : f32 to vector<64x256xf32>
    %mul3A_848 = arith.mulf %mul3A_847, %abs3A_842 : vector<64x256xf32>
    %mul3A_849 = arith.mulf %mul3A_848, %abs3A_842 : vector<64x256xf32>
    %sub3A_850 = arith.constant 5.000000e-01 : f32
    %sub3A_851 = vector.broadcast %sub3A_850 : f32 to vector<64x256xf32>
    %sub3A_852 = arith.subf %abs3A_842, %sub3A_851 : vector<64x256xf32>
    %select_n3A_853 = arith.select %lt3A_845, %mul3A_849, %sub3A_852 : vector<64x256xi1>, vector<64x256xf32>
    %reduce_sum3A_854 = vector.shape_cast %select_n3A_853 : vector<64x256xf32> to vector<1x64x256xf32>
    %reduce_sum3A_855 = arith.constant dense<0.000000e+00> : vector<1xf32>
    %reduce_sum3A_856 = vector.multi_reduction <add>, %reduce_sum3A_854, %reduce_sum3A_855 [1, 2] : vector<1x64x256xf32> to vector<1xf32>
    %reduce_sum3A_857 = vector.shape_cast %reduce_sum3A_856 : vector<1xf32> to vector<1x1x1xf32>
    %reduce_sum3A_858 = vector.extract %reduce_sum3A_857[0, 0, 0] : f32 from vector<1x1x1xf32>
    %add3A_859 = arith.addf %add3A_660, %reduce_sum3A_858 : f32
    %sub3A_860 = arith.subf %div3A_811, %div3A_721 : vector<64x256xf32>
    %abs3A_861 = math.absf %sub3A_860 : vector<64x256xf32>
    %lt3A_862 = arith.constant 1.000000e+00 : f32
    %lt3A_863 = vector.broadcast %lt3A_862 : f32 to vector<64x256xf32>
    %lt3A_864 = arith.cmpf olt, %abs3A_861, %lt3A_863 : vector<64x256xf32>
    %mul3A_865 = arith.constant 5.000000e-01 : f32
    %mul3A_866 = vector.broadcast %mul3A_865 : f32 to vector<64x256xf32>
    %mul3A_867 = arith.mulf %mul3A_866, %abs3A_861 : vector<64x256xf32>
    %mul3A_868 = arith.mulf %mul3A_867, %abs3A_861 : vector<64x256xf32>
    %sub3A_869 = arith.constant 5.000000e-01 : f32
    %sub3A_870 = vector.broadcast %sub3A_869 : f32 to vector<64x256xf32>
    %sub3A_871 = arith.subf %abs3A_861, %sub3A_870 : vector<64x256xf32>
    %select_n3A_872 = arith.select %lt3A_864, %mul3A_868, %sub3A_871 : vector<64x256xi1>, vector<64x256xf32>
    %reduce_sum3A_873 = vector.shape_cast %select_n3A_872 : vector<64x256xf32> to vector<1x64x256xf32>
    %reduce_sum3A_874 = arith.constant dense<0.000000e+00> : vector<1xf32>
    %reduce_sum3A_875 = vector.multi_reduction <add>, %reduce_sum3A_873, %reduce_sum3A_874 [1, 2] : vector<1x64x256xf32> to vector<1xf32>
    %reduce_sum3A_876 = vector.shape_cast %reduce_sum3A_875 : vector<1xf32> to vector<1x1x1xf32>
    %reduce_sum3A_877 = vector.extract %reduce_sum3A_876[0, 0, 0] : f32 from vector<1x1x1xf32>
    %add3A_878 = arith.addf %add3A_859, %reduce_sum3A_877 : f32
    %sub3A_879 = arith.subf %div3A_840, %div3A_750 : vector<64x256xf32>
    %abs3A_880 = math.absf %sub3A_879 : vector<64x256xf32>
    %lt3A_881 = arith.constant 1.000000e+00 : f32
    %lt3A_882 = vector.broadcast %lt3A_881 : f32 to vector<64x256xf32>
    %lt3A_883 = arith.cmpf olt, %abs3A_880, %lt3A_882 : vector<64x256xf32>
    %mul3A_884 = arith.constant 5.000000e-01 : f32
    %mul3A_885 = vector.broadcast %mul3A_884 : f32 to vector<64x256xf32>
    %mul3A_886 = arith.mulf %mul3A_885, %abs3A_880 : vector<64x256xf32>
    %mul3A_887 = arith.mulf %mul3A_886, %abs3A_880 : vector<64x256xf32>
    %sub3A_888 = arith.constant 5.000000e-01 : f32
    %sub3A_889 = vector.broadcast %sub3A_888 : f32 to vector<64x256xf32>
    %sub3A_890 = arith.subf %abs3A_880, %sub3A_889 : vector<64x256xf32>
    %select_n3A_891 = arith.select %lt3A_883, %mul3A_887, %sub3A_890 : vector<64x256xi1>, vector<64x256xf32>
    %reduce_sum3A_892 = vector.shape_cast %select_n3A_891 : vector<64x256xf32> to vector<1x64x256xf32>
    %reduce_sum3A_893 = arith.constant dense<0.000000e+00> : vector<1xf32>
    %reduce_sum3A_894 = vector.multi_reduction <add>, %reduce_sum3A_892, %reduce_sum3A_893 [1, 2] : vector<1x64x256xf32> to vector<1xf32>
    %reduce_sum3A_895 = vector.shape_cast %reduce_sum3A_894 : vector<1xf32> to vector<1x1x1xf32>
    %reduce_sum3A_896 = vector.extract %reduce_sum3A_895[0, 0, 0] : f32 from vector<1x1x1xf32>
    %add3A_897 = arith.addf %add3A_878, %reduce_sum3A_896 : f32
    %eq3A = arith.constant 0 : i32
    %eq3A_898 = arith.cmpi eq, %arg0, %eq3A : i32
    %convert_element_type3A_899 = arith.extui %eq3A_898 : i1 to i32
    %cond3A = arith.constant 0 : i32
    %cond3A_900 = arith.cmpi ne, %convert_element_type3A_899, %cond3A : i32
    scf.if %cond3A_900 {
      %broadcast_in_dim3A_914 = arith.constant 0.000000e+00 : f32
      %broadcast_in_dim3A_915 = vector.broadcast %broadcast_in_dim3A_914 : f32 to vector<1x1xf32>
      %swap3A_916 = arith.constant 0 : index
      %swap3A_917 = arith.constant 0 : index
      %swap3A_918 = vector.load %arg6[%swap3A_916, %swap3A_917] : memref<1x1xf32, #tpu.memory_space<vmem>>, vector<1x1xf32>
      tpu.vector_store %arg6[%swap3A_916, %swap3A_917], %broadcast_in_dim3A_915 {strides = array<i32>} : memref<1x1xf32, #tpu.memory_space<vmem>>, vector<1x1xf32>,
    } else {
    }
    %eq3A_901 = arith.constant 1 : i32
    %eq3A_902 = arith.cmpi eq, %arg0, %eq3A_901 : i32
    %jit3A = arith.constant 1.01725263E-5 : f32
    %jit3A_903 = arith.constant 1.000000e+00 : f32
    %select_n3A_904 = arith.select %eq3A_902, %jit3A, %jit3A_903 : f32
    %get3A_905 = arith.constant 0 : index
    %get3A_906 = arith.constant 0 : index
    %get3A_907 = vector.load %arg6[%get3A_905, %get3A_906] : memref<1x1xf32, #tpu.memory_space<vmem>>, vector<1x1xf32>
    %broadcast_in_dim3A_908 = vector.broadcast %add3A_897 : f32 to vector<1x1xf32>
    %add3A_909 = arith.addf %get3A_907, %broadcast_in_dim3A_908 : vector<1x1xf32>
    %mul3A_910 = vector.broadcast %select_n3A_904 : f32 to vector<1x1xf32>
    %mul3A_911 = arith.mulf %add3A_909, %mul3A_910 : vector<1x1xf32>
    %swap3A = arith.constant 0 : index
    %swap3A_912 = arith.constant 0 : index
    %swap3A_913 = vector.load %arg6[%swap3A, %swap3A_912] : memref<1x1xf32, #tpu.memory_space<vmem>>, vector<1x1xf32>
    tpu.vector_store %arg6[%swap3A, %swap3A_912], %mul3A_911 {strides = array<i32>} : memref<1x1xf32, #tpu.memory_space<vmem>>, vector<1x1xf32>,
    return
  }
  func.func @transform_0(%arg0: i32) -> (i32, i32, i32) {
    %c0_i32 = arith.constant 0 : i32
    %c0_i32_0 = arith.constant 0 : i32
    %c0_i32_1 = arith.constant 0 : i32
    return %arg0, %c0_i32, %c0_i32_0 : i32, i32, i32
  }
  func.func @transform_1(%arg0: i32) -> (i32, i32, i32) {
    %c0_i32 = arith.constant 0 : i32
    %c0_i32_0 = arith.constant 0 : i32
    %c0_i32_1 = arith.constant 0 : i32
    return %arg0, %c0_i32, %c0_i32_0 : i32, i32, i32
  }
  func.func @transform_2(%arg0: i32) -> (i32, i32, i32) {
    %c0_i32 = arith.constant 0 : i32
    %c0_i32_0 = arith.constant 0 : i32
    %c0_i32_1 = arith.constant 0 : i32
    return %arg0, %c0_i32, %c0_i32_0 : i32, i32, i32
  }
  func.func @transform_3(%arg0: i32) -> (i32, i32, i32, i32) {
    %c0_i32 = arith.constant 0 : i32
    %c0_i32_0 = arith.constant 0 : i32
    %c0_i32_1 = arith.constant 0 : i32
    %c0_i32_2 = arith.constant 0 : i32
    return %c0_i32, %arg0, %c0_i32_0, %c0_i32_1 : i32, i32, i32, i32
  }
  func.func @transform_4(%arg0: i32) -> (i32, i32) {
    %c0_i32 = arith.constant 0 : i32
    %c0_i32_0 = arith.constant 0 : i32
    %c0_i32_1 = arith.constant 0 : i32
    return %c0_i32, %c0_i32_0 : i32, i32
  }
  func.func @transform_5(%arg0: i32) -> (i32, i32) {
    %c0_i32 = arith.constant 0 : i32
    %c0_i32_0 = arith.constant 0 : i32
    %c0_i32_1 = arith.constant 0 : i32
    return %c0_i32, %c0_i32_0 : i32, i32
  }
}

module attributes {stable_mosaic.version = 14 : i64} {
  func.func @body(%arg0: i32, %arg1: memref<2x1x1024x1024xf32, #tpu.memory_space<vmem>>, %arg2: memref<2x64x1024xf32, #tpu.memory_space<vmem>>, %arg3: memref<4x128xi32, #tpu.memory_space<vmem>>, %arg4: memref<4096x128xf32, #tpu.memory_space<vmem>>) attributes {dimension_semantics = [#tpu.dimension_semantics<arbitrary>], iteration_bounds = array<i64: 4>, scalar_prefetch = 0 : i64, scratch_operands = 1 : i64, tpu.core_type = #tpu.core_type<tc>, window_params = [{transform_indices = @transform_0, window_bounds = array<i64: 2, 1, 1024, 1024>}, {pipeline_mode = #tpu.pipeline_mode<synchronous>, transform_indices = @transform_1, window_bounds = array<i64: 2, 64, 1024>}, {pipeline_mode = #tpu.pipeline_mode<synchronous>, transform_indices = @transform_2, window_bounds = array<i64: 4, 128>}]} {
    %get3A = arith.constant 0 : index
    %get3A_0 = arith.constant 0 : index
    %get3A_1 = arith.constant 0 : index
    %get3A_2 = arith.constant 0 : index
    %get3A_3 = vector.load %arg1[%get3A, %get3A_0, %get3A_1, %get3A_2] : memref<2x1x1024x1024xf32, #tpu.memory_space<vmem>>, vector<1x1x1024x1024xf32>
    %get3A_4 = vector.shape_cast %get3A_3 : vector<1x1x1024x1024xf32> to vector<1024x1024xf32>
    %mul3A = arith.mulf %get3A_4, %get3A_4 : vector<1024x1024xf32>
    %reduce_sum3A = arith.constant dense<0.000000e+00> : vector<1024xf32>
    %reduce_sum3A_5 = vector.multi_reduction <add>, %mul3A, %reduce_sum3A [1] : vector<1024x1024xf32> to vector<1024xf32>
    %broadcast_in_dim3A = vector.shape_cast %reduce_sum3A_5 : vector<1024xf32> to vector<1024x1xf32>
    %get3A_6 = arith.constant 0 : index
    %get3A_7 = arith.constant 0 : index
    %get3A_8 = arith.constant 0 : index
    %get3A_9 = vector.load %arg2[%get3A_6, %get3A_7, %get3A_8] : memref<2x64x1024xf32, #tpu.memory_space<vmem>>, vector<1x64x1024xf32>
    %get3A_10 = vector.shape_cast %get3A_9 : vector<1x64x1024xf32> to vector<64x1024xf32>
    %convert_element_type3A = arith.truncf %get3A_4 : vector<1024x1024xf32> to vector<1024x1024xbf16>
    %convert_element_type3A_11 = arith.extf %convert_element_type3A : vector<1024x1024xbf16> to vector<1024x1024xf32>
    %sub3A = arith.subf %get3A_4, %convert_element_type3A_11 : vector<1024x1024xf32>
    %convert_element_type3A_12 = arith.truncf %sub3A : vector<1024x1024xf32> to vector<1024x1024xbf16>
    %convert_element_type3A_13 = arith.truncf %get3A_10 : vector<64x1024xf32> to vector<64x1024xbf16>
    %convert_element_type3A_14 = arith.extf %convert_element_type3A_13 : vector<64x1024xbf16> to vector<64x1024xf32>
    %sub3A_15 = arith.subf %get3A_10, %convert_element_type3A_14 : vector<64x1024xf32>
    %convert_element_type3A_16 = arith.truncf %sub3A_15 : vector<64x1024xf32> to vector<64x1024xbf16>
    %dot_general3A = arith.constant dense<0.000000e+00> : vector<1024x64xf32>
    %dot_general3A_17 = tpu.matmul %convert_element_type3A, %convert_element_type3A_16, %dot_general3A {dimension_numbers = #tpu.dot_dimension_numbers<[1], [1], [0], [0], [0, 0, 1, 0], [], []>, transpose_lhs_hint = false} : vector<1024x1024xbf16>, vector<64x1024xbf16>, vector<1024x64xf32> -> vector<1024x64xf32>
    %dot_general3A_18 = arith.constant dense<0.000000e+00> : vector<1024x64xf32>
    %dot_general3A_19 = tpu.matmul %convert_element_type3A_12, %convert_element_type3A_13, %dot_general3A_18 {dimension_numbers = #tpu.dot_dimension_numbers<[1], [1], [0], [0], [0, 0, 1, 0], [], []>, transpose_lhs_hint = false} : vector<1024x1024xbf16>, vector<64x1024xbf16>, vector<1024x64xf32> -> vector<1024x64xf32>
    %add3A = arith.addf %dot_general3A_17, %dot_general3A_19 : vector<1024x64xf32>
    %dot_general3A_20 = arith.constant dense<0.000000e+00> : vector<1024x64xf32>
    %dot_general3A_21 = tpu.matmul %convert_element_type3A, %convert_element_type3A_13, %dot_general3A_20 {dimension_numbers = #tpu.dot_dimension_numbers<[1], [1], [0], [0], [0, 0, 1, 0], [], []>, transpose_lhs_hint = false} : vector<1024x1024xbf16>, vector<64x1024xbf16>, vector<1024x64xf32> -> vector<1024x64xf32>
    %add3A_22 = arith.addf %add3A, %dot_general3A_21 : vector<1024x64xf32>
    %sqrt3A = math.sqrt %broadcast_in_dim3A : vector<1024x1xf32>
    %max3A = arith.constant 9.99999993E-9 : f32
    %max3A_23 = vector.broadcast %max3A : f32 to vector<1024x1xf32>
    %max3A_24 = arith.maximumf %sqrt3A, %max3A_23 : vector<1024x1xf32>
    %div3A = arith.constant 1.000000e+00 : f32
    %div3A_25 = vector.broadcast %div3A : f32 to vector<1024x1xf32>
    %div3A_26 = arith.divf %div3A_25, %max3A_24 : vector<1024x1xf32>
    %mul3A_27 = vector.broadcast %div3A_26 : vector<1024x1xf32> to vector<1024x64xf32>
    %mul3A_28 = arith.mulf %add3A_22, %mul3A_27 : vector<1024x64xf32>
    %mul3A_29 = arith.constant 1024 : i32
    %mul3A_30 = arith.muli %arg0, %mul3A_29 : i32
    %swap3A = arith.index_cast %mul3A_30 : i32 to index
    %swap3A_31 = arith.constant 0 : index
    %swap3A_32 = vector.load %arg4[%swap3A, %swap3A_31] : memref<4096x128xf32, #tpu.memory_space<vmem>>, vector<1024x64xf32>
    tpu.vector_store %arg4[%swap3A, %swap3A_31], %mul3A_28 {strides = array<i32>} : memref<4096x128xf32, #tpu.memory_space<vmem>>, vector<1024x64xf32>,
    %get3A_33 = arith.constant 1 : index
    %get3A_34 = arith.constant 0 : index
    %get3A_35 = arith.constant 0 : index
    %get3A_36 = arith.constant 0 : index
    %get3A_37 = vector.load %arg1[%get3A_33, %get3A_34, %get3A_35, %get3A_36] : memref<2x1x1024x1024xf32, #tpu.memory_space<vmem>>, vector<1x1x1024x1024xf32>
    %get3A_38 = vector.shape_cast %get3A_37 : vector<1x1x1024x1024xf32> to vector<1024x1024xf32>
    %mul3A_39 = arith.mulf %get3A_38, %get3A_38 : vector<1024x1024xf32>
    %reduce_sum3A_40 = arith.constant dense<0.000000e+00> : vector<1024xf32>
    %reduce_sum3A_41 = vector.multi_reduction <add>, %mul3A_39, %reduce_sum3A_40 [1] : vector<1024x1024xf32> to vector<1024xf32>
    %broadcast_in_dim3A_42 = vector.shape_cast %reduce_sum3A_41 : vector<1024xf32> to vector<1024x1xf32>
    %get3A_43 = arith.constant 1 : index
    %get3A_44 = arith.constant 0 : index
    %get3A_45 = arith.constant 0 : index
    %get3A_46 = vector.load %arg2[%get3A_43, %get3A_44, %get3A_45] : memref<2x64x1024xf32, #tpu.memory_space<vmem>>, vector<1x64x1024xf32>
    %get3A_47 = vector.shape_cast %get3A_46 : vector<1x64x1024xf32> to vector<64x1024xf32>
    %convert_element_type3A_48 = arith.truncf %get3A_38 : vector<1024x1024xf32> to vector<1024x1024xbf16>
    %convert_element_type3A_49 = arith.extf %convert_element_type3A_48 : vector<1024x1024xbf16> to vector<1024x1024xf32>
    %sub3A_50 = arith.subf %get3A_38, %convert_element_type3A_49 : vector<1024x1024xf32>
    %convert_element_type3A_51 = arith.truncf %sub3A_50 : vector<1024x1024xf32> to vector<1024x1024xbf16>
    %convert_element_type3A_52 = arith.truncf %get3A_47 : vector<64x1024xf32> to vector<64x1024xbf16>
    %convert_element_type3A_53 = arith.extf %convert_element_type3A_52 : vector<64x1024xbf16> to vector<64x1024xf32>
    %sub3A_54 = arith.subf %get3A_47, %convert_element_type3A_53 : vector<64x1024xf32>
    %convert_element_type3A_55 = arith.truncf %sub3A_54 : vector<64x1024xf32> to vector<64x1024xbf16>
    %dot_general3A_56 = arith.constant dense<0.000000e+00> : vector<1024x64xf32>
    %dot_general3A_57 = tpu.matmul %convert_element_type3A_48, %convert_element_type3A_55, %dot_general3A_56 {dimension_numbers = #tpu.dot_dimension_numbers<[1], [1], [0], [0], [0, 0, 1, 0], [], []>, transpose_lhs_hint = false} : vector<1024x1024xbf16>, vector<64x1024xbf16>, vector<1024x64xf32> -> vector<1024x64xf32>
    %dot_general3A_58 = arith.constant dense<0.000000e+00> : vector<1024x64xf32>
    %dot_general3A_59 = tpu.matmul %convert_element_type3A_51, %convert_element_type3A_52, %dot_general3A_58 {dimension_numbers = #tpu.dot_dimension_numbers<[1], [1], [0], [0], [0, 0, 1, 0], [], []>, transpose_lhs_hint = false} : vector<1024x1024xbf16>, vector<64x1024xbf16>, vector<1024x64xf32> -> vector<1024x64xf32>
    %add3A_60 = arith.addf %dot_general3A_57, %dot_general3A_59 : vector<1024x64xf32>
    %dot_general3A_61 = arith.constant dense<0.000000e+00> : vector<1024x64xf32>
    %dot_general3A_62 = tpu.matmul %convert_element_type3A_48, %convert_element_type3A_52, %dot_general3A_61 {dimension_numbers = #tpu.dot_dimension_numbers<[1], [1], [0], [0], [0, 0, 1, 0], [], []>, transpose_lhs_hint = false} : vector<1024x1024xbf16>, vector<64x1024xbf16>, vector<1024x64xf32> -> vector<1024x64xf32>
    %add3A_63 = arith.addf %add3A_60, %dot_general3A_62 : vector<1024x64xf32>
    %sqrt3A_64 = math.sqrt %broadcast_in_dim3A_42 : vector<1024x1xf32>
    %max3A_65 = arith.constant 9.99999993E-9 : f32
    %max3A_66 = vector.broadcast %max3A_65 : f32 to vector<1024x1xf32>
    %max3A_67 = arith.maximumf %sqrt3A_64, %max3A_66 : vector<1024x1xf32>
    %div3A_68 = arith.constant 1.000000e+00 : f32
    %div3A_69 = vector.broadcast %div3A_68 : f32 to vector<1024x1xf32>
    %div3A_70 = arith.divf %div3A_69, %max3A_67 : vector<1024x1xf32>
    %mul3A_71 = vector.broadcast %div3A_70 : vector<1024x1xf32> to vector<1024x64xf32>
    %mul3A_72 = arith.mulf %add3A_63, %mul3A_71 : vector<1024x64xf32>
    %mul3A_73 = arith.constant 1024 : i32
    %mul3A_74 = arith.muli %arg0, %mul3A_73 : i32
    %swap3A_75 = arith.index_cast %mul3A_74 : i32 to index
    %swap3A_76 = arith.constant 64 : index
    %swap3A_77 = vector.load %arg4[%swap3A_75, %swap3A_76] : memref<4096x128xf32, #tpu.memory_space<vmem>>, vector<1024x64xf32>
    tpu.vector_store %arg4[%swap3A_75, %swap3A_76], %mul3A_72 {strides = array<i32>} : memref<4096x128xf32, #tpu.memory_space<vmem>>, vector<1024x64xf32>,
    %eq3A = arith.constant 3 : i32
    %eq3A_78 = arith.cmpi eq, %arg0, %eq3A : i32
    %convert_element_type3A_79 = arith.extui %eq3A_78 : i1 to i32
    %cond3A = arith.constant 0 : i32
    %cond3A_80 = arith.cmpi ne, %convert_element_type3A_79, %cond3A : i32
    scf.if %cond3A_80 {
      %get3A_81 = arith.constant 0 : index
      %get3A_82 = arith.constant 0 : index
      %get3A_83 = vector.load %arg4[%get3A_81, %get3A_82] : memref<4096x128xf32, #tpu.memory_space<vmem>>, vector<4096x128xf32>
      %iota3A = tpu.iota {dimensions = array<i32: 0>} : vector<4096x128xi32>
      %iota3A_84 = tpu.iota {dimensions = array<i32: 1>} : vector<1x128xi32>
      %jit3A = arith.constant 64 : i32
      %div3A_85 = vector.broadcast %jit3A : i32 to vector<1x128xi32>
      %div3A_86 = arith.divsi %iota3A_84, %div3A_85 : vector<1x128xi32>
      %sign3A = arith.constant 0 : i32
      %sign3A_87 = vector.broadcast %sign3A : i32 to vector<1x128xi32>
      %sign3A_88 = arith.cmpi sgt, %iota3A_84, %sign3A_87 : vector<1x128xi32>
      %sign3A_89 = arith.extui %sign3A_88 : vector<1x128xi1> to vector<1x128xi32>
      %sign3A_90 = arith.constant 0 : i32
      %sign3A_91 = vector.broadcast %sign3A_90 : i32 to vector<1x128xi32>
      %sign3A_92 = arith.cmpi slt, %iota3A_84, %sign3A_91 : vector<1x128xi32>
      %sign3A_93 = arith.extui %sign3A_92 : vector<1x128xi1> to vector<1x128xi32>
      %sign3A_94 = arith.subi %sign3A_89, %sign3A_93 : vector<1x128xi32>
      %sign3A_95 = arith.constant 0 : i32
      %sign3A_96 = arith.cmpi sgt, %jit3A, %sign3A_95 : i32
      %sign3A_97 = arith.extui %sign3A_96 : i1 to i32
      %sign3A_98 = arith.constant 0 : i32
      %sign3A_99 = arith.cmpi slt, %jit3A, %sign3A_98 : i32
      %sign3A_100 = arith.extui %sign3A_99 : i1 to i32
      %sign3A_101 = arith.subi %sign3A_97, %sign3A_100 : i32
      %ne3A = vector.broadcast %sign3A_101 : i32 to vector<1x128xi32>
      %ne3A_102 = arith.cmpi ne, %sign3A_94, %ne3A : vector<1x128xi32>
      %rem3A = vector.broadcast %jit3A : i32 to vector<1x128xi32>
      %rem3A_103 = arith.remsi %iota3A_84, %rem3A : vector<1x128xi32>
      %ne3A_104 = arith.constant 0 : i32
      %ne3A_105 = vector.broadcast %ne3A_104 : i32 to vector<1x128xi32>
      %ne3A_106 = arith.cmpi ne, %rem3A_103, %ne3A_105 : vector<1x128xi32>
      %and3A = arith.andi %ne3A_102, %ne3A_106 : vector<1x128xi1>
      %sub3A_107 = arith.constant 1 : i32
      %sub3A_108 = vector.broadcast %sub3A_107 : i32 to vector<1x128xi32>
      %sub3A_109 = arith.subi %div3A_86, %sub3A_108 : vector<1x128xi32>
      %select_n3A = arith.select %and3A, %sub3A_109, %div3A_86 : vector<1x128xi1>, vector<1x128xi32>
      %mul3A_110 = arith.constant 8192 : i32
      %mul3A_111 = vector.broadcast %mul3A_110 : i32 to vector<1x128xi32>
      %mul3A_112 = arith.muli %select_n3A, %mul3A_111 : vector<1x128xi32>
      %reduce_max3A = arith.constant dense<0xFF800000> : vector<128xf32>
      %reduce_max3A_113 = vector.multi_reduction <maximumf>, %get3A_83, %reduce_max3A [0] : vector<4096x128xf32> to vector<128xf32>
      %broadcast_in_dim3A_114 = vector.shape_cast %reduce_max3A_113 : vector<128xf32> to vector<1x128xf32>
      %eq3A_115 = vector.broadcast %broadcast_in_dim3A_114 : vector<1x128xf32> to vector<4096x128xf32>
      %eq3A_116 = arith.cmpf oeq, %get3A_83, %eq3A_115 : vector<4096x128xf32>
      %jit3A_117 = arith.constant 4096 : i32
      %broadcast_in_dim3A_118 = vector.broadcast %jit3A_117 : i32 to vector<4096x128xi32>
      %select_n3A_119 = arith.select %eq3A_116, %iota3A, %broadcast_in_dim3A_118 : vector<4096x128xi1>, vector<4096x128xi32>
      %reduce_min3A = arith.constant dense<2147483647> : vector<128xi32>
      %reduce_min3A_120 = vector.multi_reduction <minsi>, %select_n3A_119, %reduce_min3A [0] : vector<4096x128xi32> to vector<128xi32>
      %broadcast_in_dim3A_121 = vector.shape_cast %reduce_min3A_120 : vector<128xi32> to vector<1x128xi32>
      %add3A_122 = arith.addi %mul3A_112, %broadcast_in_dim3A_121 : vector<1x128xi32>
      %jit3A_123 = arith.constant 1024 : i32
      %div3A_124 = vector.broadcast %jit3A_123 : i32 to vector<1x128xi32>
      %div3A_125 = arith.divsi %broadcast_in_dim3A_121, %div3A_124 : vector<1x128xi32>
      %sign3A_126 = arith.constant 0 : i32
      %sign3A_127 = vector.broadcast %sign3A_126 : i32 to vector<1x128xi32>
      %sign3A_128 = arith.cmpi sgt, %broadcast_in_dim3A_121, %sign3A_127 : vector<1x128xi32>
      %sign3A_129 = arith.extui %sign3A_128 : vector<1x128xi1> to vector<1x128xi32>
      %sign3A_130 = arith.constant 0 : i32
      %sign3A_131 = vector.broadcast %sign3A_130 : i32 to vector<1x128xi32>
      %sign3A_132 = arith.cmpi slt, %broadcast_in_dim3A_121, %sign3A_131 : vector<1x128xi32>
      %sign3A_133 = arith.extui %sign3A_132 : vector<1x128xi1> to vector<1x128xi32>
      %sign3A_134 = arith.subi %sign3A_129, %sign3A_133 : vector<1x128xi32>
      %sign3A_135 = arith.constant 0 : i32
      %sign3A_136 = arith.cmpi sgt, %jit3A_123, %sign3A_135 : i32
      %sign3A_137 = arith.extui %sign3A_136 : i1 to i32
      %sign3A_138 = arith.constant 0 : i32
      %sign3A_139 = arith.cmpi slt, %jit3A_123, %sign3A_138 : i32
      %sign3A_140 = arith.extui %sign3A_139 : i1 to i32
      %sign3A_141 = arith.subi %sign3A_137, %sign3A_140 : i32
      %ne3A_142 = vector.broadcast %sign3A_141 : i32 to vector<1x128xi32>
      %ne3A_143 = arith.cmpi ne, %sign3A_134, %ne3A_142 : vector<1x128xi32>
      %rem3A_144 = vector.broadcast %jit3A_123 : i32 to vector<1x128xi32>
      %rem3A_145 = arith.remsi %broadcast_in_dim3A_121, %rem3A_144 : vector<1x128xi32>
      %ne3A_146 = arith.constant 0 : i32
      %ne3A_147 = vector.broadcast %ne3A_146 : i32 to vector<1x128xi32>
      %ne3A_148 = arith.cmpi ne, %rem3A_145, %ne3A_147 : vector<1x128xi32>
      %and3A_149 = arith.andi %ne3A_143, %ne3A_148 : vector<1x128xi1>
      %sub3A_150 = arith.constant 1 : i32
      %sub3A_151 = vector.broadcast %sub3A_150 : i32 to vector<1x128xi32>
      %sub3A_152 = arith.subi %div3A_125, %sub3A_151 : vector<1x128xi32>
      %select_n3A_153 = arith.select %and3A_149, %sub3A_152, %div3A_125 : vector<1x128xi1>, vector<1x128xi32>
      %add3A_154 = arith.constant 1 : i32
      %add3A_155 = vector.broadcast %add3A_154 : i32 to vector<1x128xi32>
      %add3A_156 = arith.addi %select_n3A_153, %add3A_155 : vector<1x128xi32>
      %mul3A_157 = arith.constant 1024 : i32
      %mul3A_158 = vector.broadcast %mul3A_157 : i32 to vector<1x128xi32>
      %mul3A_159 = arith.muli %mul3A_158, %add3A_156 : vector<1x128xi32>
      %add3A_160 = arith.addi %add3A_122, %mul3A_159 : vector<1x128xi32>
      %eq3A_161 = vector.broadcast %broadcast_in_dim3A_121 : vector<1x128xi32> to vector<4096x128xi32>
      %eq3A_162 = arith.cmpi eq, %iota3A, %eq3A_161 : vector<4096x128xi32>
      %jit3A_163 = arith.constant 0xFF800000 : f32
      %broadcast_in_dim3A_164 = vector.broadcast %jit3A_163 : f32 to vector<4096x128xf32>
      %select_n3A_165 = arith.select %eq3A_162, %broadcast_in_dim3A_164, %get3A_83 : vector<4096x128xi1>, vector<4096x128xf32>
      %reduce_max3A_166 = arith.constant dense<0xFF800000> : vector<128xf32>
      %reduce_max3A_167 = vector.multi_reduction <maximumf>, %select_n3A_165, %reduce_max3A_166 [0] : vector<4096x128xf32> to vector<128xf32>
      %broadcast_in_dim3A_168 = vector.shape_cast %reduce_max3A_167 : vector<128xf32> to vector<1x128xf32>
      %eq3A_169 = vector.broadcast %broadcast_in_dim3A_168 : vector<1x128xf32> to vector<4096x128xf32>
      %eq3A_170 = arith.cmpf oeq, %select_n3A_165, %eq3A_169 : vector<4096x128xf32>
      %jit3A_171 = arith.constant 4096 : i32
      %broadcast_in_dim3A_172 = vector.broadcast %jit3A_171 : i32 to vector<4096x128xi32>
      %select_n3A_173 = arith.select %eq3A_170, %iota3A, %broadcast_in_dim3A_172 : vector<4096x128xi1>, vector<4096x128xi32>
      %reduce_min3A_174 = arith.constant dense<2147483647> : vector<128xi32>
      %reduce_min3A_175 = vector.multi_reduction <minsi>, %select_n3A_173, %reduce_min3A_174 [0] : vector<4096x128xi32> to vector<128xi32>
      %broadcast_in_dim3A_176 = vector.shape_cast %reduce_min3A_175 : vector<128xi32> to vector<1x128xi32>
      %add3A_177 = arith.addi %mul3A_112, %broadcast_in_dim3A_176 : vector<1x128xi32>
      %jit3A_178 = arith.constant 1024 : i32
      %div3A_179 = vector.broadcast %jit3A_178 : i32 to vector<1x128xi32>
      %div3A_180 = arith.divsi %broadcast_in_dim3A_176, %div3A_179 : vector<1x128xi32>
      %sign3A_181 = arith.constant 0 : i32
      %sign3A_182 = vector.broadcast %sign3A_181 : i32 to vector<1x128xi32>
      %sign3A_183 = arith.cmpi sgt, %broadcast_in_dim3A_176, %sign3A_182 : vector<1x128xi32>
      %sign3A_184 = arith.extui %sign3A_183 : vector<1x128xi1> to vector<1x128xi32>
      %sign3A_185 = arith.constant 0 : i32
      %sign3A_186 = vector.broadcast %sign3A_185 : i32 to vector<1x128xi32>
      %sign3A_187 = arith.cmpi slt, %broadcast_in_dim3A_176, %sign3A_186 : vector<1x128xi32>
      %sign3A_188 = arith.extui %sign3A_187 : vector<1x128xi1> to vector<1x128xi32>
      %sign3A_189 = arith.subi %sign3A_184, %sign3A_188 : vector<1x128xi32>
      %sign3A_190 = arith.constant 0 : i32
      %sign3A_191 = arith.cmpi sgt, %jit3A_178, %sign3A_190 : i32
      %sign3A_192 = arith.extui %sign3A_191 : i1 to i32
      %sign3A_193 = arith.constant 0 : i32
      %sign3A_194 = arith.cmpi slt, %jit3A_178, %sign3A_193 : i32
      %sign3A_195 = arith.extui %sign3A_194 : i1 to i32
      %sign3A_196 = arith.subi %sign3A_192, %sign3A_195 : i32
      %ne3A_197 = vector.broadcast %sign3A_196 : i32 to vector<1x128xi32>
      %ne3A_198 = arith.cmpi ne, %sign3A_189, %ne3A_197 : vector<1x128xi32>
      %rem3A_199 = vector.broadcast %jit3A_178 : i32 to vector<1x128xi32>
      %rem3A_200 = arith.remsi %broadcast_in_dim3A_176, %rem3A_199 : vector<1x128xi32>
      %ne3A_201 = arith.constant 0 : i32
      %ne3A_202 = vector.broadcast %ne3A_201 : i32 to vector<1x128xi32>
      %ne3A_203 = arith.cmpi ne, %rem3A_200, %ne3A_202 : vector<1x128xi32>
      %and3A_204 = arith.andi %ne3A_198, %ne3A_203 : vector<1x128xi1>
      %sub3A_205 = arith.constant 1 : i32
      %sub3A_206 = vector.broadcast %sub3A_205 : i32 to vector<1x128xi32>
      %sub3A_207 = arith.subi %div3A_180, %sub3A_206 : vector<1x128xi32>
      %select_n3A_208 = arith.select %and3A_204, %sub3A_207, %div3A_180 : vector<1x128xi1>, vector<1x128xi32>
      %add3A_209 = arith.constant 1 : i32
      %add3A_210 = vector.broadcast %add3A_209 : i32 to vector<1x128xi32>
      %add3A_211 = arith.addi %select_n3A_208, %add3A_210 : vector<1x128xi32>
      %mul3A_212 = arith.constant 1024 : i32
      %mul3A_213 = vector.broadcast %mul3A_212 : i32 to vector<1x128xi32>
      %mul3A_214 = arith.muli %mul3A_213, %add3A_211 : vector<1x128xi32>
      %add3A_215 = arith.addi %add3A_177, %mul3A_214 : vector<1x128xi32>
      %eq3A_216 = vector.broadcast %broadcast_in_dim3A_176 : vector<1x128xi32> to vector<4096x128xi32>
      %eq3A_217 = arith.cmpi eq, %iota3A, %eq3A_216 : vector<4096x128xi32>
      %jit3A_218 = arith.constant 0xFF800000 : f32
      %broadcast_in_dim3A_219 = vector.broadcast %jit3A_218 : f32 to vector<4096x128xf32>
      %select_n3A_220 = arith.select %eq3A_217, %broadcast_in_dim3A_219, %select_n3A_165 : vector<4096x128xi1>, vector<4096x128xf32>
      %reduce_max3A_221 = arith.constant dense<0xFF800000> : vector<128xf32>
      %reduce_max3A_222 = vector.multi_reduction <maximumf>, %select_n3A_220, %reduce_max3A_221 [0] : vector<4096x128xf32> to vector<128xf32>
      %broadcast_in_dim3A_223 = vector.shape_cast %reduce_max3A_222 : vector<128xf32> to vector<1x128xf32>
      %eq3A_224 = vector.broadcast %broadcast_in_dim3A_223 : vector<1x128xf32> to vector<4096x128xf32>
      %eq3A_225 = arith.cmpf oeq, %select_n3A_220, %eq3A_224 : vector<4096x128xf32>
      %jit3A_226 = arith.constant 4096 : i32
      %broadcast_in_dim3A_227 = vector.broadcast %jit3A_226 : i32 to vector<4096x128xi32>
      %select_n3A_228 = arith.select %eq3A_225, %iota3A, %broadcast_in_dim3A_227 : vector<4096x128xi1>, vector<4096x128xi32>
      %reduce_min3A_229 = arith.constant dense<2147483647> : vector<128xi32>
      %reduce_min3A_230 = vector.multi_reduction <minsi>, %select_n3A_228, %reduce_min3A_229 [0] : vector<4096x128xi32> to vector<128xi32>
      %broadcast_in_dim3A_231 = vector.shape_cast %reduce_min3A_230 : vector<128xi32> to vector<1x128xi32>
      %add3A_232 = arith.addi %mul3A_112, %broadcast_in_dim3A_231 : vector<1x128xi32>
      %jit3A_233 = arith.constant 1024 : i32
      %div3A_234 = vector.broadcast %jit3A_233 : i32 to vector<1x128xi32>
      %div3A_235 = arith.divsi %broadcast_in_dim3A_231, %div3A_234 : vector<1x128xi32>
      %sign3A_236 = arith.constant 0 : i32
      %sign3A_237 = vector.broadcast %sign3A_236 : i32 to vector<1x128xi32>
      %sign3A_238 = arith.cmpi sgt, %broadcast_in_dim3A_231, %sign3A_237 : vector<1x128xi32>
      %sign3A_239 = arith.extui %sign3A_238 : vector<1x128xi1> to vector<1x128xi32>
      %sign3A_240 = arith.constant 0 : i32
      %sign3A_241 = vector.broadcast %sign3A_240 : i32 to vector<1x128xi32>
      %sign3A_242 = arith.cmpi slt, %broadcast_in_dim3A_231, %sign3A_241 : vector<1x128xi32>
      %sign3A_243 = arith.extui %sign3A_242 : vector<1x128xi1> to vector<1x128xi32>
      %sign3A_244 = arith.subi %sign3A_239, %sign3A_243 : vector<1x128xi32>
      %sign3A_245 = arith.constant 0 : i32
      %sign3A_246 = arith.cmpi sgt, %jit3A_233, %sign3A_245 : i32
      %sign3A_247 = arith.extui %sign3A_246 : i1 to i32
      %sign3A_248 = arith.constant 0 : i32
      %sign3A_249 = arith.cmpi slt, %jit3A_233, %sign3A_248 : i32
      %sign3A_250 = arith.extui %sign3A_249 : i1 to i32
      %sign3A_251 = arith.subi %sign3A_247, %sign3A_250 : i32
      %ne3A_252 = vector.broadcast %sign3A_251 : i32 to vector<1x128xi32>
      %ne3A_253 = arith.cmpi ne, %sign3A_244, %ne3A_252 : vector<1x128xi32>
      %rem3A_254 = vector.broadcast %jit3A_233 : i32 to vector<1x128xi32>
      %rem3A_255 = arith.remsi %broadcast_in_dim3A_231, %rem3A_254 : vector<1x128xi32>
      %ne3A_256 = arith.constant 0 : i32
      %ne3A_257 = vector.broadcast %ne3A_256 : i32 to vector<1x128xi32>
      %ne3A_258 = arith.cmpi ne, %rem3A_255, %ne3A_257 : vector<1x128xi32>
      %and3A_259 = arith.andi %ne3A_253, %ne3A_258 : vector<1x128xi1>
      %sub3A_260 = arith.constant 1 : i32
      %sub3A_261 = vector.broadcast %sub3A_260 : i32 to vector<1x128xi32>
      %sub3A_262 = arith.subi %div3A_235, %sub3A_261 : vector<1x128xi32>
      %select_n3A_263 = arith.select %and3A_259, %sub3A_262, %div3A_235 : vector<1x128xi1>, vector<1x128xi32>
      %add3A_264 = arith.constant 1 : i32
      %add3A_265 = vector.broadcast %add3A_264 : i32 to vector<1x128xi32>
      %add3A_266 = arith.addi %select_n3A_263, %add3A_265 : vector<1x128xi32>
      %mul3A_267 = arith.constant 1024 : i32
      %mul3A_268 = vector.broadcast %mul3A_267 : i32 to vector<1x128xi32>
      %mul3A_269 = arith.muli %mul3A_268, %add3A_266 : vector<1x128xi32>
      %add3A_270 = arith.addi %add3A_232, %mul3A_269 : vector<1x128xi32>
      %eq3A_271 = vector.broadcast %broadcast_in_dim3A_231 : vector<1x128xi32> to vector<4096x128xi32>
      %eq3A_272 = arith.cmpi eq, %iota3A, %eq3A_271 : vector<4096x128xi32>
      %jit3A_273 = arith.constant 0xFF800000 : f32
      %broadcast_in_dim3A_274 = vector.broadcast %jit3A_273 : f32 to vector<4096x128xf32>
      %select_n3A_275 = arith.select %eq3A_272, %broadcast_in_dim3A_274, %select_n3A_220 : vector<4096x128xi1>, vector<4096x128xf32>
      %reduce_max3A_276 = arith.constant dense<0xFF800000> : vector<128xf32>
      %reduce_max3A_277 = vector.multi_reduction <maximumf>, %select_n3A_275, %reduce_max3A_276 [0] : vector<4096x128xf32> to vector<128xf32>
      %broadcast_in_dim3A_278 = vector.shape_cast %reduce_max3A_277 : vector<128xf32> to vector<1x128xf32>
      %eq3A_279 = vector.broadcast %broadcast_in_dim3A_278 : vector<1x128xf32> to vector<4096x128xf32>
      %eq3A_280 = arith.cmpf oeq, %select_n3A_275, %eq3A_279 : vector<4096x128xf32>
      %jit3A_281 = arith.constant 4096 : i32
      %broadcast_in_dim3A_282 = vector.broadcast %jit3A_281 : i32 to vector<4096x128xi32>
      %select_n3A_283 = arith.select %eq3A_280, %iota3A, %broadcast_in_dim3A_282 : vector<4096x128xi1>, vector<4096x128xi32>
      %reduce_min3A_284 = arith.constant dense<2147483647> : vector<128xi32>
      %reduce_min3A_285 = vector.multi_reduction <minsi>, %select_n3A_283, %reduce_min3A_284 [0] : vector<4096x128xi32> to vector<128xi32>
      %broadcast_in_dim3A_286 = vector.shape_cast %reduce_min3A_285 : vector<128xi32> to vector<1x128xi32>
      %add3A_287 = arith.addi %mul3A_112, %broadcast_in_dim3A_286 : vector<1x128xi32>
      %jit3A_288 = arith.constant 1024 : i32
      %div3A_289 = vector.broadcast %jit3A_288 : i32 to vector<1x128xi32>
      %div3A_290 = arith.divsi %broadcast_in_dim3A_286, %div3A_289 : vector<1x128xi32>
      %sign3A_291 = arith.constant 0 : i32
      %sign3A_292 = vector.broadcast %sign3A_291 : i32 to vector<1x128xi32>
      %sign3A_293 = arith.cmpi sgt, %broadcast_in_dim3A_286, %sign3A_292 : vector<1x128xi32>
      %sign3A_294 = arith.extui %sign3A_293 : vector<1x128xi1> to vector<1x128xi32>
      %sign3A_295 = arith.constant 0 : i32
      %sign3A_296 = vector.broadcast %sign3A_295 : i32 to vector<1x128xi32>
      %sign3A_297 = arith.cmpi slt, %broadcast_in_dim3A_286, %sign3A_296 : vector<1x128xi32>
      %sign3A_298 = arith.extui %sign3A_297 : vector<1x128xi1> to vector<1x128xi32>
      %sign3A_299 = arith.subi %sign3A_294, %sign3A_298 : vector<1x128xi32>
      %sign3A_300 = arith.constant 0 : i32
      %sign3A_301 = arith.cmpi sgt, %jit3A_288, %sign3A_300 : i32
      %sign3A_302 = arith.extui %sign3A_301 : i1 to i32
      %sign3A_303 = arith.constant 0 : i32
      %sign3A_304 = arith.cmpi slt, %jit3A_288, %sign3A_303 : i32
      %sign3A_305 = arith.extui %sign3A_304 : i1 to i32
      %sign3A_306 = arith.subi %sign3A_302, %sign3A_305 : i32
      %ne3A_307 = vector.broadcast %sign3A_306 : i32 to vector<1x128xi32>
      %ne3A_308 = arith.cmpi ne, %sign3A_299, %ne3A_307 : vector<1x128xi32>
      %rem3A_309 = vector.broadcast %jit3A_288 : i32 to vector<1x128xi32>
      %rem3A_310 = arith.remsi %broadcast_in_dim3A_286, %rem3A_309 : vector<1x128xi32>
      %ne3A_311 = arith.constant 0 : i32
      %ne3A_312 = vector.broadcast %ne3A_311 : i32 to vector<1x128xi32>
      %ne3A_313 = arith.cmpi ne, %rem3A_310, %ne3A_312 : vector<1x128xi32>
      %and3A_314 = arith.andi %ne3A_308, %ne3A_313 : vector<1x128xi1>
      %sub3A_315 = arith.constant 1 : i32
      %sub3A_316 = vector.broadcast %sub3A_315 : i32 to vector<1x128xi32>
      %sub3A_317 = arith.subi %div3A_290, %sub3A_316 : vector<1x128xi32>
      %select_n3A_318 = arith.select %and3A_314, %sub3A_317, %div3A_290 : vector<1x128xi1>, vector<1x128xi32>
      %add3A_319 = arith.constant 1 : i32
      %add3A_320 = vector.broadcast %add3A_319 : i32 to vector<1x128xi32>
      %add3A_321 = arith.addi %select_n3A_318, %add3A_320 : vector<1x128xi32>
      %mul3A_322 = arith.constant 1024 : i32
      %mul3A_323 = vector.broadcast %mul3A_322 : i32 to vector<1x128xi32>
      %mul3A_324 = arith.muli %mul3A_323, %add3A_321 : vector<1x128xi32>
      %add3A_325 = arith.addi %add3A_287, %mul3A_324 : vector<1x128xi32>
      %concatenate3A = tpu.concatenate %add3A_160, %add3A_215, %add3A_270, %add3A_325 in 0 : vector<1x128xi32>, vector<1x128xi32>, vector<1x128xi32>, vector<1x128xi32> -> vector<4x128xi32>
      %swap3A_326 = arith.constant 0 : index
      %swap3A_327 = arith.constant 0 : index
      %swap3A_328 = vector.load %arg3[%swap3A_326, %swap3A_327] : memref<4x128xi32, #tpu.memory_space<vmem>>, vector<4x128xi32>
      tpu.vector_store %arg3[%swap3A_326, %swap3A_327], %concatenate3A {strides = array<i32>} : memref<4x128xi32, #tpu.memory_space<vmem>>, vector<4x128xi32>,
    } else {
    }
    return
  }
  func.func @transform_0(%arg0: i32) -> (i32, i32, i32, i32) {
    %mul3A = arith.constant 2 : i32
    %mul3A_0 = arith.muli %mul3A, %arg0 : i32
    %add3A = arith.constant 1 : i32
    %add3A_1 = arith.addi %mul3A_0, %add3A : i32
    %c0_i32 = arith.constant 0 : i32
    %c0_i32_2 = arith.constant 0 : i32
    %c0_i32_3 = arith.constant 0 : i32
    %c0_i32_4 = arith.constant 0 : i32
    return %c0_i32, %add3A_1, %c0_i32_2, %c0_i32_3 : i32, i32, i32, i32
  }
  func.func @transform_1(%arg0: i32) -> (i32, i32, i32) {
    %c0_i32 = arith.constant 0 : i32
    %c0_i32_0 = arith.constant 0 : i32
    %c0_i32_1 = arith.constant 0 : i32
    %c0_i32_2 = arith.constant 0 : i32
    return %c0_i32, %c0_i32_0, %c0_i32_1 : i32, i32, i32
  }
  func.func @transform_2(%arg0: i32) -> (i32, i32) {
    %c0_i32 = arith.constant 0 : i32
    %c0_i32_0 = arith.constant 0 : i32
    %c0_i32_1 = arith.constant 0 : i32
    return %c0_i32, %c0_i32_0 : i32, i32
  }
}

</mosaic_0001>

<sc_bundles>
// kernel: kernel.10.cloned.1.call-start
scs
__scs_entry_jumppad:
0x0: {  	(pc) =	sbr.rel $0x88, $3  }
0x1: {  	(tag) =	ssettag $0x0;
	lr =	simm.s32 $0x1  }
0x2: {  	[smem:$0x3F9D] =	sst lr;
	_ =	strace $0xD0000000  }
0x3: {  	_ = 	snop  }
0x4: {  	_ = 	snop  }
0x5: {  	_ = 	snop  }
0x6: {  	_ = 	snop  }
0x7: {  	_ = 	snop  }
__scs_overlays_trampoline_lowered:
0x8: {  	[smem:$0x3FAC] =	sst s0  }
0x9: {  	[smem:$0x3FAD] =	sst s1  }
0xa: {  	[smem:$0x3FAE] =	sst s2  }
0xb: {  	[smem:$0x3FAF] =	sst s3  }
0xc: {  	[smem:$0x3FB0] =	sst s4  }
0xd: {  	[smem:$0x3FB1] =	sst s5  }
0xe: {  	[smem:$0x3FB2] =	sst s6  }
0xf: {  	[smem:$0x3FB3] =	sst s7  }
0x10: {  	[smem:$0x3FB4] =	sst s8  }
0x11: {  	[smem:$0x3FB5] =	sst s9;
	s0 =	simm.s32 @!p0 $0x0  }
0x12: {  	s1 =	sld [smem:$0x3F9B];
	s0 =	simm.s32 @p0 $0x1  }
0x13: {  	[smem:$0x3FB6] =	sst s0;
	s0 =	simm.s32 @!p1 $0x0  }
0x14: {  	s2 =	sld [smem:$0x3F9A];
	s0 =	simm.s32 @p1 $0x1  }
0x15: {  	[smem:$0x3FB7] =	sst s0;
	s0 =	simm.s32 @!p2 $0x0  }
0x16: {  	s3 =	sld [smem:$0x3FDB];
	s0 =	simm.s32 @p2 $0x1  }
0x17: {  	s4 =	simm.s32 $0x1BF5;
	[smem:$0x3FB9] =	sst s0  }
0x18: {  	s0 =	sld [smem:$0x3F9C];
	_ =	swait.ge [sflag:s4], $0x0  }
0x19: {  	s7 =	sld [smem:$0x3F9D]  }
0x1a: {  	s8 =	sadd.s32 $0xFFFFE003, lr  }
0x1b: {  	s9 =	sadd.s32 $0xFFFFFEF7, lr;
	s5 =	simm.s32 $0xFFFFFFFF;
	p2 =	slt.u32 s8, $0xFFFFF086  }
0x1c: {  	p1 =	slt.u32 s9, $0xF7A;
	s5 =	simm.s32 @!p2 $0x0  }
0x1d: {  	s5 =	simm.s32 @p1 $0x1;
	p0 =	seq.s32 s7, s2  }
0x1e: {  	s7 =	smul.u32 @!p0 $0xF7A, s2;
	p2 =	seq.s32 @!p0 s5, $0x0  }
0x1f: {  	s9 =	smul.u32 $0xF7A, s1;
	s8 =	simm.s32 @!p0 $0x1BF5;
	p2 =	por !p2, p0  }
0x20: {  	[sflag:s8] =	ssyncset.s32 @!p0 $0xFFFFF086;
	s6 =	sadd.s32 @!p0 s3, s7;
	s7 =	simm.s32 @!p0 $0x108  }
0x21: {  	s3 =	sadd.s32 s3, s9;
	s6 =	sadd.s32 @!p0 $0x88, s6;
	s7 =	simm.s32 @p2 $0x1082  }
0x22: {  	[simem:s7], [sflag:s8] =	dma.local @!p0 [hbm:s6], $0xF7A  }
0x23: {  	s9 =	sor.u32 $0xD0000000, s2;
	s6 =	simm.s32 $0x108;
	_ =	swait.ge @!p0 [sflag:s8], $0x0  }
0x24: {  	s3 =	sadd.s32 $0x88, s3;
	s6 =	simm.s32 @!p1 $0x1082;
	[sflag:s4] =	ssyncset.s32 $0xFFFFF086  }
0x25: {  	[simem:s6], [sflag:s4] =	dma.local [hbm:s3], $0xF7A  }
0x26: {  	[smem:$0x3F9D] =	sst s1;
	(tag) =	ssettag s2;
	_ =	strace s9  }
0x27: {  	s1 =	sld [smem:$0x3FAD]  }
0x28: {  	s2 =	sld [smem:$0x3FAE]  }
0x29: {  	s4 =	sld [smem:$0x3FB0]  }
0x2a: {  	p0 =	seq.s32 s5, $0x0;
	s5 =	sld [smem:$0x3FB1]  }
0x2b: {  	s6 =	sld [smem:$0x3FB2]  }
0x2c: {  	s7 =	sld [smem:$0x3FB3]  }
0x2d: {  	s3 =	simm.s32 $0x108;
	s8 =	sld [smem:$0x3FB4]  }
0x2e: {  	s3 =	simm.s32 @!p0 $0x1082;
	s9 =	sld [smem:$0x3FB5]  }
0x2f: {  	lr =	sadd.s32 s0, s3;
	s0 =	sld [smem:$0x3FAC]  }
0x30: {  	s3 =	sld [smem:$0x3FAF]  }
0x31: {  	[smem:$0x3FB8] =	sst s10  }
0x32: {  	s10 =	sld [smem:$0x3FB6];
	_ =	sdelay $0x3  }
0x33: {  	p0 =	seq.s32 s10, $0x1;
	s10 =	sld [smem:$0x3FB8];
	_ =	sdelay $0x3  }
0x34: {  	[smem:$0x3FB8] =	sst s10  }
0x35: {  	s10 =	sld [smem:$0x3FB7];
	_ =	sdelay $0x3  }
0x36: {  	p1 =	seq.s32 s10, $0x1;
	s10 =	sld [smem:$0x3FB8];
	_ =	sdelay $0x3  }
0x37: {  	[smem:$0x3FB8] =	sst s10  }
0x38: {  	s10 =	sld [smem:$0x3FB9]  }
0x39: {  	_ = 	snop;
	(pc) =	sbr.ind lr, $3  }
0x3a: {  	_ = 	snop  }
0x3b: {  	_ = 	snop  }
0x3c: {  	p2 =	seq.s32 s10, $0x1;
	s10 =	sld [smem:$0x3FB8]  }
0x3d: {  	_ =	shalt  }
0x3e: {  	_ =	shalt  }
0x3f: {  	_ =	shalt  }
0x40: {  	_ =	shalt  }
0x41: {  	_ =	shalt  }
0x42: {  	_ =	shalt  }
0x43: {  	_ =	shalt  }
0x44: {  	_ =	shalt  }
0x45: {  	_ =	shalt  }
0x46: {  	_ =	shalt  }
0x47: {  	_ =	shalt  }
0x48: {  	_ =	shalt  }
0x49: {  	_ =	shalt  }
0x4a: {  	_ =	shalt  }
0x4b: {  	_ =	shalt  }
0x4c: {  	_ =	shalt  }
0x4d: {  	_ =	shalt  }
0x4e: {  	_ =	shalt  }
0x4f: {  	_ =	shalt  }
0x50: {  	_ =	shalt  }
0x51: {  	_ =	shalt  }
0x52: {  	_ =	shalt  }
0x53: {  	_ =	shalt  }
0x54: {  	_ =	shalt  }
0x55: {  	_ =	shalt  }
0x56: {  	_ =	shalt  }
0x57: {  	_ =	shalt  }
0x58: {  	_ =	shalt  }
0x59: {  	_ =	shalt  }
0x5a: {  	_ =	shalt  }
0x5b: {  	_ =	shalt  }
0x5c: {  	_ =	shalt  }
0x5d: {  	_ =	shalt  }
0x5e: {  	_ =	shalt  }
0x5f: {  	_ =	shalt  }
0x60: {  	_ =	shalt  }
0x61: {  	_ =	shalt  }
0x62: {  	_ =	shalt  }
0x63: {  	_ =	shalt  }
0x64: {  	_ =	shalt  }
0x65: {  	_ =	shalt  }
0x66: {  	_ =	shalt  }
0x67: {  	_ =	shalt  }
0x68: {  	_ =	shalt  }
0x69: {  	_ =	shalt  }
0x6a: {  	_ =	shalt  }
0x6b: {  	_ =	shalt  }
0x6c: {  	_ =	shalt  }
0x6d: {  	_ =	shalt  }
0x6e: {  	_ =	shalt  }
0x6f: {  	_ =	shalt  }
0x70: {  	_ =	shalt  }
0x71: {  	_ =	shalt  }
0x72: {  	_ =	shalt  }
0x73: {  	_ =	shalt  }
0x74: {  	_ =	shalt  }
0x75: {  	_ =	shalt  }
0x76: {  	_ =	shalt  }
0x77: {  	_ =	shalt  }
0x78: {  	_ =	shalt  }
0x79: {  	_ =	shalt  }
0x7a: {  	_ =	shalt  }
0x7b: {  	_ =	shalt  }
0x7c: {  	_ =	shalt  }
0x7d: {  	_ =	shalt  }
0x7e: {  	_ =	shalt  }
0x7f: {  	_ =	shalt  }
0x80: {  	_ =	shalt  }
0x81: {  	_ =	shalt  }
0x82: {  	_ =	shalt  }
0x83: {  	_ =	shalt  }
0x84: {  	_ =	shalt  }
0x85: {  	_ =	shalt  }
0x86: {  	_ =	shalt  }
0x87: {  	_ =	shalt  }
.Lfunc_end0:
.L_simem_size_0:
called_computation.1_lowered:
.L_overlay_start_0:
0x88: {  	s2 =	sld [smem:$0x3FD9]  }
0x89: {  	s3 =	sld [smem:$0x3FFE];
	_ =	sdelay $0x1  }
0x8a: {  	s1 =	srdreg.scid  }
0x8b: {  	s0 =	sand.u32 $0x1, s1  }
0x8c: {  	s17 =	sshll.u32 s0, $0xA;
	s2 =	sadd.s32 s3, s2  }
0x8d: {  	s2 =	sadd.s32 s2, s17  }
0x8e: {  	[smem:$0x3FC4] =	sst s2  }
0x8f: {  	_ = 	snop  }
0x90: {  	s4 =	sld [smem:$0x3FC9]  }
0x91: {  	s18 =	sld [smem:$0x3FC8];
	(tm) =	ssettm $0x1  }
0x92: {  	s19 =	sld [smem:$0x3FFB];
	_ =	sdelay $0x3  }
0x93: {  	_ =	strace s19  }
0x94: {  	s2 =	sld [smem:$0x3FFC];
	_ =	sdelay $0x3  }
0x95: {  	_ =	strace s2  }
0x96: {  	s2 =	sld [smem:$0x3FFD];
	_ =	sdelay $0x3  }
0x97: {  	_ =	strace s2  }
0x98: {  	_ =	strace $0x8FFFFFFF  }
0x99: {  	s20 =	sld [smem:$0x3FDB];
	_ =	sdelay $0x1  }
0x9a: {  	s5 =	simm.s32 $_scs_section_size  }
0x9b: {  	s6 =	simm.s32 $_size__tile_overlayer_lowered;
	s7 =	simm.s32 $_tile_overlayer_lowered  }
0x9c: {  	s8 =	simm.s32 $0x1BFF;
	s21 =	sshll.u32 s7, $0x1;
	s5 =	sadd.s32 s5, s20  }
0x9d: {  	s22 =	simm.s32 $0x0;
	s6 =	sshll.u32 s6, $0x1;
	s7 =	sadd.s32 s21, s5  }
0x9e: {  	[timem:s22], [sflag:s8] =	dma.local [hbm:s7], s6  }
0x9f: {  	_ =	swait.ge [sflag:s8], s6  }
0xa0: {  	s6 =	ssub.s32 $0x0, s6;
	[sflag:s8] =	ssyncset.done $0x0  }
0xa1: {  	[sflag:s8] =	ssyncadd.s32 s6;
	_ =	sdelay $0x1  }
0xa2: {  	s23 =	simm.s32 $0x1B8B  }
0xa3: {  	_ =	swait.ge [sflag:s23], $0x1  }
0xa4: {  	[sflag:s23] =	ssyncset.done $0x0  }
0xa5: {  	[sflag:s23] =	ssyncadd.s32 $0xFFFFFFFF  }
0xa6: {  	s6 =	sld [smem:$0x0]  }
0xa7: {  	s7 =	sand.u32 $0xFFFFFFFE, s1  }
0xa8: {  	p0 =	sne.s32 s1, s7  }
0xa9: {  	s7 =	sshll.u32 @p0 s7, $0xE  }
0xaa: {  	s7 =	sadd.s32 @p0 $0x11B8D, s7;
	s8 =	sshll.u32 @p0 s6, $0x11  }
0xab: {  	s7 =	sor.u32 @p0 s8, s7  }
0xac: {  	[sflag:s7] =	ssyncadd.remote.s32 @p0 $0x1;
	_ =	sdelay $0x1  }
0xad: {  	s7 =	simm.s32 @p0 $0x1B8D  }
0xae: {  	_ =	swait.eq @p0 [sflag:s7], $0x1  }
0xaf: {  	[sflag:s7] =	ssyncadd.s32 @p0 $0xFFFFFFFF  }
0xb0: {  	s8 =	sshll.u32 @!p0 s1, $0xE  }
0xb1: {  	s8 =	sor.u32 @!p0 $0x4000, s8;
	s7 =	simm.s32 @!p0 $0x1B8D  }
0xb2: {  	s6 =	sshll.u32 @!p0 s6, $0x11;
	s8 =	sadd.s32 @!p0 $0x11B8D, s8;
	_ =	swait.eq @!p0 [sflag:s7], $0x1  }
0xb3: {  	s6 =	sor.u32 @!p0 s6, s8;
	[sflag:s7] =	ssyncadd.s32 @!p0 $0xFFFFFFFF  }
0xb4: {  	s25 =	simm.s32 $0x1B8E;
	s24 =	sld [smem:$0x3FFE];
	[sflag:s6] =	ssyncadd.remote.s32 @!p0 $0x1  }
0xb5: {  	s26 =	simm.s32 $execute0_lowered;
	[smem:$0x3FD2] =	sst s25  }
0xb6: {  	s7 =	sshll.u32 s26, $0x1;
	_ =	strace $0x80000049;
	[dreg:$0x1] =	wrdreg $0xFFFFFFFF  }
0xb7: {  	s28 =	simm.s32 $_size_execute0_lowered;
	s5 =	sadd.s32 s5, s7;
	[dreg:$0x0] =	wrdreg $0x0  }
0xb8: {  	s7 =	sshll.u32 s28, $0x1;
	[dreg:$0x2] =	wrdreg s5  }
0xb9: {  	[dreg:$0x3] =	wrdreg s7  }
0xba: {  	[dreg:$0x4] =	wrdreg $0xC0  }
0xbb: {  	_ =	task [dreg:s22], $0x5FFFF  }
0xbc: {  	[dreg:$0x1] =	wrdreg $0xFFFFFFFF  }
0xbd: {  	[dreg:$0x0] =	wrdreg $0x60  }
0xbe: {  	[dreg:$0x2] =	wrdreg s4  }
0xbf: {  	[dreg:$0x3] =	wrdreg s24  }
0xc0: {  	[dreg:$0x4] =	wrdreg s18  }
0xc1: {  	[dreg:$0x5] =	wrdreg $0x9  }
0xc2: {  	_ =	task.clear_ibuf [dreg:s22], $0x6FFFF;
	_ =	strace $0x90000049  }
0xc3: {  	s29 =	simm.s32 $0x9;
	_ =	strace $0x8000004B  }
0xc4: {  	_ =	swait.ge [sflag:s29], $0x1  }
0xc5: {  	[sflag:s29] =	ssyncadd.s32 $0xFFFFFFFF  }
0xc6: {  	_ =	strace $0x9000004B  }
0xc7: {  	_ =	sfence  }
0xc8: {  	s30 =	sld [smem:$0x0];
	_ =	sdelay $0x2  }
0xc9: {  	s31 =	sshll.u32 s1, $0xD;
	s1 =	sshrl.u32 s1, $0x2  }
0xca: {  	s4 =	sand.u32 $0x4000, s31;
	s1 =	sadd.s32 s1, s30  }
0xcb: {  	s0 =	sor.u32 s4, s0;
	s1 =	sshll.u32 s1, $0x11  }
0xcc: {  	s0 =	sor.u32 s1, s0  }
0xcd: {  	s0 =	sadd.s32 $0x8F2B, s0  }
0xce: {  	[sflag:s0] =	ssyncadd.remote.s32 $0x1  }
0xcf: {  	_ =	sfence.sel $0xFFFF  }
0xd0: {  	[dreg:$0x0] =	wrdreg $0xFFFFFFFF;
	(pc) =	sbr.abs _section_cstart, $3  }
0xd1: {  	[dreg:$0x1] =	wrdreg $0xFFFFFFFF  }
0xd2: {  	_ =	task.clear_ibuf [dreg:s22], $0x2FFFF;
	_ =	strace $0x9FFFFFFF  }
0xd3: {  	(tm) =	ssettm $0x7FFFFFFF  }
tec
execute0_lowered:
.L_overlay_start_1:
0x0: {  	(tag) =	ssettag $0x1  }
0x1: {  	s1 =	rddreg [dreg:$0x0]  }
0x2: {  	s5 =	rddreg [dreg:$0x1]  }
0x3: {  	s3 =	rddreg [dreg:$0x2]  }
0x4: {  	s0 =	rddreg [dreg:$0x3]  }
0x5: {  	s6 =	srdreg.scid;
	s2 =	stileid.u32;
	s4 =	simm.s32 $0x0  }
0x6: {  	s13 =	simm.s32 $0x2;
	s14 =	simm.s32 $0x4100;
	s15 =	simm.s32 $0x4900  }
0x7: {  	s16 =	simm.s32 $0x5100;
	s17 =	simm.s32 $0x5900;
	s18 =	simm.s32 $0x6100  }
0x8: {  	s19 =	simm.s32 $0x6900;
	s20 =	simm.s32 $0x7100;
	s21 =	simm.s32 $0x7900  }
0x9: {  	s22 =	simm.s32 $0x1;
	s6 =	sand.u32 $0x1, s6;
	s7 =	sshll.u32 s2, $0x1  }
0xa: {  	[smem:$0x7FF] =	sst s4;
	s9 =	sadd.s32 $0x200, s3;
	p0 =	sgt.u32 s2, $0xB  }
0xb: {  	s7 =	sor.u32 s6, s7;
	_ =	strace $0x8000004A;
	s6 =	ssub.s32 $0x2, s6  }
0xc: {  	s8 =	sshll.u32 s7, $0x1;
	s7 =	sshll.u32 s7, $0xB;
	s29 =	sshrl.u32 s6, $0x1  }
0xd: {  	s8 =	sadd.s32 s8, s5;
	s10 =	sadd.s32 s7, s5;
	s11 =	ssub.s32 s6, s29  }
0xe: {  	s5 =	sadd.s32 $0x100, s1;
	s6 =	sadd.s32 $0x200, s1;
	s30 =	sadd.s32 $0x6000, s8  }
0xf: {  	s7 =	sadd.s32 $0x300, s1;
	s31 =	sadd.s32 $0x16400, s10;
	[dreg:$0x4] =	wrdreg s30  }
0x10: {  	v2 =	vlaneseq.u32;
	s8 =	sadd.s32 $0x6200, s8;
	s12 =	sadd.s32 $0x6400, s10;
	[dreg:$0x5] =	wrdreg s31  }
0x11: {  	vm1 =	vmmov $0xffff;
	v0 =	vand.u32 $0x7, v2;
	v1 =	vshrl.u32 v2, $0x3;
	s10 =	sadd.s32 $0x300, s3;
	s11 =	smax.u32 s11, $0x1;
	[dreg:$0x6] =	wrdreg s8  }
0x12: {  	v2 =	vor.u32 $0x8, v2;
	vm0 =	vmmov @!p0 $0xffff;
	v1 =	vmul.u32 $0x8, v1;
	s8 =	sadd.s32 $0x100, s3;
	[dreg:$0x7] =	wrdreg s12;
	s12 =	simm.s32 $0x4080  }
.LBB2_1:
0x13: {  	s23 =	rddreg [dreg:$0x4];
	s24 =	simm.s32 @!p0 $0x0  }
0x14: {  	[tilespmem:s24], [sflag:$0x2] =	stream.linear.gather @!p0 [hbm4b:s23+s24], $0x10, $0x38;
	[tilespmem:$0x8100] =	vst v63  }
0x15: {  	s23 =	simm.s32 @!p0 $0x2  }
0x16: {  	_ =	swait.ge @!p0 [sflag:s23], $0x10  }
0x17: {  	[sflag:s23] =	ssyncset.done @!p0 $0x0  }
0x18: {  	[sflag:s23] =	ssyncadd.s32 @!p0 $0xFFFFFFF0  }
0x19: {  	v3 =	vld @!p0 [tilespmem:$0x0];
	_ =	sdelay $0x4  }
0x1a: {  	v4 =	vshll.u32 @!p0 v3, $0x3  }
0x1b: {  	v5 =	vlaneseq.u32 @!p0;
	v3 =	vand.u32 @!p0 $0x7, v3;
	v4 =	vand.u32 @!p0 $0xFFFFFFC0, v4  }
0x1c: {  	v6 =	vshrl.u32 @!p0 v5, $0x3;
	v3 =	vor.u32 @!p0 v3, v4;
	v4 =	vand.u32 @!p0 $0x7, v5  }
0x1d: {  	v6 =	vmul.u32 @!p0 $0x8, v6;
	v4 =	vperm.xlane @!p0 v3, v4;
	_ =	sdelay $0x1  }
0x1e: {  	v4 =	vadd.s32 @!p0 v6, v4;
	_ =	sdelay $0x3  }
0x1f: {  	s25 =	simm.s32 @!p0 $0x80  }
0x20: {  	v5 =	vor.u32 @!p0 $0x8, v5;
	[tilespmem:s25], [sflag:$0x1] =	stream.indirect_vreg.gather @!p0 [hbm4b:s1+s24], $0x80, v4, vm0, $0xb8;
	[tilespmem:$0x8100] =	vst v63  }
0x21: {  	s26 =	simm.s32 @!p0 $0x880;
	v3 =	vperm.xlane @!p0 v3, v5  }
0x22: {  	[tilespmem:s26], [sflag:$0x1] =	stream.indirect_vreg.gather @!p0 [hbm4b:s5+s24], $0x80, v4, vm0, $0xb8;
	[tilespmem:$0x8100] =	vst v63  }
0x23: {  	v3 =	vadd.s32 @!p0 v6, v3;
	s26 =	simm.s32 @!p0 $0x1080  }
0x24: {  	[tilespmem:s26], [sflag:$0x1] =	stream.indirect_vreg.gather @!p0 [hbm4b:s6+s24], $0x80, v4, vm0, $0xb8;
	[tilespmem:$0x8100] =	vst v63  }
0x25: {  	s26 =	simm.s32 @!p0 $0x1880  }
0x26: {  	[tilespmem:s26], [sflag:$0x1] =	stream.indirect_vreg.gather @!p0 [hbm4b:s7+s24], $0x80, v4, vm0, $0xb8;
	[tilespmem:$0x8100] =	vst v63  }
0x27: {  	s26 =	simm.s32 @!p0 $0x2080  }
0x28: {  	[tilespmem:s26], [sflag:$0x1] =	stream.indirect_vreg.gather @!p0 [hbm4b:s1+s24], $0x80, v3, vm0, $0xb8;
	[tilespmem:$0x8100] =	vst v63  }
0x29: {  	s26 =	simm.s32 @!p0 $0x2880  }
0x2a: {  	[tilespmem:s26], [sflag:$0x1] =	stream.indirect_vreg.gather @!p0 [hbm4b:s5+s24], $0x80, v3, vm0, $0xb8;
	[tilespmem:$0x8100] =	vst v63  }
0x2b: {  	s26 =	simm.s32 @!p0 $0x3080  }
0x2c: {  	[tilespmem:s26], [sflag:$0x1] =	stream.indirect_vreg.gather @!p0 [hbm4b:s6+s24], $0x80, v3, vm0, $0xb8;
	[tilespmem:$0x8100] =	vst v63  }
0x2d: {  	s26 =	simm.s32 @!p0 $0x3880  }
0x2e: {  	[tilespmem:s26], [sflag:$0x1] =	stream.indirect_vreg.gather @!p0 [hbm4b:s7+s24], $0x80, v3, vm0, $0xb8;
	[tilespmem:$0x8100] =	vst v63  }
0x2f: {  	s26 =	simm.s32 @!p0 $0x1  }
0x30: {  	_ =	swait.ge @!p0 [sflag:s26], $0x4000  }
0x31: {  	[sflag:s26] =	ssyncset.done @!p0 $0x0  }
0x32: {  	s28 =	rddreg [dreg:$0x5];
	[sflag:s26] =	ssyncadd.s32 @!p0 $0xFFFFC000  }
0x33: {  	[hbm4b:s28+s24] =	stream.linear.scatter @!p0 [tilespmem:s25], [sflag:$0x2], $0x4000, $0x38;
	[tilespmem:$0x8100] =	vst v63  }
0x34: {  	_ =	swait.ge @!p0 [sflag:s23], $0x4000  }
0x35: {  	[sflag:s23] =	ssyncset.done @!p0 $0x0  }
0x36: {  	s30 =	rddreg [dreg:$0x6];
	[sflag:s23] =	ssyncadd.s32 @!p0 $0xFFFFC000  }
0x37: {  	[tilespmem:s12], [sflag:$0x2] =	stream.linear.gather [hbm4b:s30+s4], $0x10, $0x38;
	[tilespmem:$0x8100] =	vst v63  }
0x38: {  	_ =	swait.ge [sflag:s13], $0x10  }
0x39: {  	[sflag:s13] =	ssyncset.done $0x0  }
0x3a: {  	[sflag:s13] =	ssyncadd.s32 $0xFFFFFFF0  }
0x3b: {  	v3 =	vld [tilespmem:$0x4080];
	_ =	sdelay $0x4  }
0x3c: {  	v63 =	vshll.u32 v3, $0x3  }
0x3d: {  	v3 =	vand.u32 $0x7, v3;
	v4 =	vand.u32 $0xFFFFFFC0, v63  }
0x3e: {  	v3 =	vor.u32 v3, v4  }
0x3f: {  	v4 =	vperm.xlane v3, v0;
	_ =	sdelay $0x1  }
0x40: {  	v4 =	vadd.s32 v1, v4;
	_ =	sdelay $0x4  }
0x41: {  	[tilespmem:s14], [sflag:$0x1] =	stream.indirect_vreg.gather [hbm4b:s3+s4], $0x80, v4, vm1, $0xb8;
	[tilespmem:$0x8100] =	vst v63  }
0x42: {  	v3 =	vperm.xlane v3, v2  }
0x43: {  	[tilespmem:s15], [sflag:$0x1] =	stream.indirect_vreg.gather [hbm4b:s8+s4], $0x80, v4, vm1, $0xb8;
	[tilespmem:$0x8100] =	vst v63  }
0x44: {  	v3 =	vadd.s32 v1, v3  }
0x45: {  	[tilespmem:s16], [sflag:$0x1] =	stream.indirect_vreg.gather [hbm4b:s9+s4], $0x80, v4, vm1, $0xb8;
	[tilespmem:$0x8100] =	vst v63  }
0x46: {  	_ = 	snop  }
0x47: {  	[tilespmem:s17], [sflag:$0x1] =	stream.indirect_vreg.gather [hbm4b:s10+s4], $0x80, v4, vm1, $0xb8;
	[tilespmem:$0x8100] =	vst v63  }
0x48: {  	_ = 	snop  }
0x49: {  	[tilespmem:s18], [sflag:$0x1] =	stream.indirect_vreg.gather [hbm4b:s3+s4], $0x80, v3, vm1, $0xb8;
	[tilespmem:$0x8100] =	vst v63  }
0x4a: {  	_ = 	snop  }
0x4b: {  	[tilespmem:s19], [sflag:$0x1] =	stream.indirect_vreg.gather [hbm4b:s8+s4], $0x80, v3, vm1, $0xb8;
	[tilespmem:$0x8100] =	vst v63  }
0x4c: {  	_ = 	snop  }
0x4d: {  	[tilespmem:s20], [sflag:$0x1] =	stream.indirect_vreg.gather [hbm4b:s9+s4], $0x80, v3, vm1, $0xb8;
	[tilespmem:$0x8100] =	vst v63  }
0x4e: {  	_ = 	snop  }
0x4f: {  	[tilespmem:s21], [sflag:$0x1] =	stream.indirect_vreg.gather [hbm4b:s10+s4], $0x80, v3, vm1, $0xb8;
	[tilespmem:$0x8100] =	vst v63  }
0x50: {  	s11 =	sadd.s32 $0xFFFFFFFF, s11;
	_ =	swait.ge [sflag:s22], $0x4000  }
0x51: {  	p1 =	sne.s32 s11, $0x0;
	[sflag:s22] =	ssyncset.done $0x0  }
.Ltmp0:
0x52: {  	s31 =	rddreg [dreg:$0x7];
	[sflag:s22] =	ssyncadd.s32 $0xFFFFC000;
	(pc) =	sbr.rel @p1 .LBB2_1-.Ltmp0, $4  }
0x53: {  	[hbm4b:s31+s4] =	stream.linear.scatter [tilespmem:s14], [sflag:$0x2], $0x4000, $0x38;
	[tilespmem:$0x8100] =	vst v63  }
0x54: {  	_ =	swait.ge [sflag:s13], $0x4000  }
0x55: {  	[sflag:s13] =	ssyncset.done $0x0  }
0x56: {  	[sflag:s13] =	ssyncadd.s32 $0xFFFFC000  }
0x57: {  	_ =	sfence.sel $0x180000  }
0x58: {  	[bflag:$0x0] =	sbarrier.arrive $0xFFFF  }
0x59: {  	p0 =	sne.s32 s2, $0x0;
	_ =	strace $0x9000004A  }
0x5a: {  	s0 =	sadd.s32 @!p0 $0x100000, s0;
	[bflag:$0x2] =	sbarrier.arrive $0xFFFF  }
0x5b: {  	[sflag:s0] =	ssyncadd.tile.s32 @!p0 $0x1;
	_ =	shalt  }
.Lfunc_end2:
_tile_overlayer_lowered:
.L_overlay_start_2:
0x5c: {  	(tag) =	ssettag $0x2  }
0x5d: {  	s0 =	rddreg [dreg:$0x0];
	s2 =	stileid.u32  }
0x5e: {  	s1 =	rddreg [dreg:$0x1];
	p0 =	sne.s32 s2, $0x0  }
0x5f: {  	s3 =	rddreg [dreg:$0x2];
	[bflag:$0x3] =	sbarrier.arrive $0xFFFF;
	s2 =	simm.s32 @!p0 $0x1C02  }
0x60: {  	[timem:s3], [sflag:s2] =	dma.local @!p0 [hbm:s0], s1  }
0x61: {  	s0 =	simm.s32 @!p0 $0x2  }
0x62: {  	_ =	swait.ge @!p0 [sflag:s0], s1  }
0x63: {  	s1 =	ssub.s32 @!p0 $0x0, s1;
	[sflag:s0] =	ssyncset.done @!p0 $0x0  }
0x64: {  	[sflag:s0] =	ssyncadd.s32 @!p0 s1  }
0x65: {  	[bflag:$0x3] =	sbarrier.arrive $0xFFFF  }
0x66: {  	_ =	shalt  }

// kernel: kernel.13.cloned.1.call-start
scs
__scs_entry_jumppad:
0x0: {  	(pc) =	sbr.rel $0x88, $3  }
0x1: {  	(tag) =	ssettag $0x0;
	lr =	simm.s32 $0x1  }
0x2: {  	[smem:$0x3F9D] =	sst lr;
	_ =	strace $0xD0000000  }
0x3: {  	_ = 	snop  }
0x4: {  	_ = 	snop  }
0x5: {  	_ = 	snop  }
0x6: {  	_ = 	snop  }
0x7: {  	_ = 	snop  }
__scs_overlays_trampoline_lowered:
0x8: {  	[smem:$0x3FAC] =	sst s0  }
0x9: {  	[smem:$0x3FAD] =	sst s1  }
0xa: {  	[smem:$0x3FAE] =	sst s2  }
0xb: {  	[smem:$0x3FAF] =	sst s3  }
0xc: {  	[smem:$0x3FB0] =	sst s4  }
0xd: {  	[smem:$0x3FB1] =	sst s5  }
0xe: {  	[smem:$0x3FB2] =	sst s6  }
0xf: {  	[smem:$0x3FB3] =	sst s7  }
0x10: {  	[smem:$0x3FB4] =	sst s8  }
0x11: {  	[smem:$0x3FB5] =	sst s9;
	s0 =	simm.s32 @!p0 $0x0  }
0x12: {  	s1 =	sld [smem:$0x3F9B];
	s0 =	simm.s32 @p0 $0x1  }
0x13: {  	[smem:$0x3FB6] =	sst s0;
	s0 =	simm.s32 @!p1 $0x0  }
0x14: {  	s2 =	sld [smem:$0x3F9A];
	s0 =	simm.s32 @p1 $0x1  }
0x15: {  	[smem:$0x3FB7] =	sst s0;
	s0 =	simm.s32 @!p2 $0x0  }
0x16: {  	s3 =	sld [smem:$0x3FDB];
	s0 =	simm.s32 @p2 $0x1  }
0x17: {  	s4 =	simm.s32 $0x1BF5;
	[smem:$0x3FB9] =	sst s0  }
0x18: {  	s0 =	sld [smem:$0x3F9C];
	_ =	swait.ge [sflag:s4], $0x0  }
0x19: {  	s7 =	sld [smem:$0x3F9D]  }
0x1a: {  	s8 =	sadd.s32 $0xFFFFE003, lr  }
0x1b: {  	s9 =	sadd.s32 $0xFFFFFEF7, lr;
	s5 =	simm.s32 $0xFFFFFFFF;
	p2 =	slt.u32 s8, $0xFFFFF086  }
0x1c: {  	p1 =	slt.u32 s9, $0xF7A;
	s5 =	simm.s32 @!p2 $0x0  }
0x1d: {  	s5 =	simm.s32 @p1 $0x1;
	p0 =	seq.s32 s7, s2  }
0x1e: {  	s7 =	smul.u32 @!p0 $0xF7A, s2;
	p2 =	seq.s32 @!p0 s5, $0x0  }
0x1f: {  	s9 =	smul.u32 $0xF7A, s1;
	s8 =	simm.s32 @!p0 $0x1BF5;
	p2 =	por !p2, p0  }
0x20: {  	[sflag:s8] =	ssyncset.s32 @!p0 $0xFFFFF086;
	s6 =	sadd.s32 @!p0 s3, s7;
	s7 =	simm.s32 @!p0 $0x108  }
0x21: {  	s3 =	sadd.s32 s3, s9;
	s6 =	sadd.s32 @!p0 $0x88, s6;
	s7 =	simm.s32 @p2 $0x1082  }
0x22: {  	[simem:s7], [sflag:s8] =	dma.local @!p0 [hbm:s6], $0xF7A  }
0x23: {  	s9 =	sor.u32 $0xD0000000, s2;
	s6 =	simm.s32 $0x108;
	_ =	swait.ge @!p0 [sflag:s8], $0x0  }
0x24: {  	s3 =	sadd.s32 $0x88, s3;
	s6 =	simm.s32 @!p1 $0x1082;
	[sflag:s4] =	ssyncset.s32 $0xFFFFF086  }
0x25: {  	[simem:s6], [sflag:s4] =	dma.local [hbm:s3], $0xF7A  }
0x26: {  	[smem:$0x3F9D] =	sst s1;
	(tag) =	ssettag s2;
	_ =	strace s9  }
0x27: {  	s1 =	sld [smem:$0x3FAD]  }
0x28: {  	s2 =	sld [smem:$0x3FAE]  }
0x29: {  	s4 =	sld [smem:$0x3FB0]  }
0x2a: {  	p0 =	seq.s32 s5, $0x0;
	s5 =	sld [smem:$0x3FB1]  }
0x2b: {  	s6 =	sld [smem:$0x3FB2]  }
0x2c: {  	s7 =	sld [smem:$0x3FB3]  }
0x2d: {  	s3 =	simm.s32 $0x108;
	s8 =	sld [smem:$0x3FB4]  }
0x2e: {  	s3 =	simm.s32 @!p0 $0x1082;
	s9 =	sld [smem:$0x3FB5]  }
0x2f: {  	lr =	sadd.s32 s0, s3;
	s0 =	sld [smem:$0x3FAC]  }
0x30: {  	s3 =	sld [smem:$0x3FAF]  }
0x31: {  	[smem:$0x3FB8] =	sst s10  }
0x32: {  	s10 =	sld [smem:$0x3FB6];
	_ =	sdelay $0x3  }
0x33: {  	p0 =	seq.s32 s10, $0x1;
	s10 =	sld [smem:$0x3FB8];
	_ =	sdelay $0x3  }
0x34: {  	[smem:$0x3FB8] =	sst s10  }
0x35: {  	s10 =	sld [smem:$0x3FB7];
	_ =	sdelay $0x3  }
0x36: {  	p1 =	seq.s32 s10, $0x1;
	s10 =	sld [smem:$0x3FB8];
	_ =	sdelay $0x3  }
0x37: {  	[smem:$0x3FB8] =	sst s10  }
0x38: {  	s10 =	sld [smem:$0x3FB9]  }
0x39: {  	_ = 	snop;
	(pc) =	sbr.ind lr, $3  }
0x3a: {  	_ = 	snop  }
0x3b: {  	_ = 	snop  }
0x3c: {  	p2 =	seq.s32 s10, $0x1;
	s10 =	sld [smem:$0x3FB8]  }
0x3d: {  	_ =	shalt  }
0x3e: {  	_ =	shalt  }
0x3f: {  	_ =	shalt  }
0x40: {  	_ =	shalt  }
0x41: {  	_ =	shalt  }
0x42: {  	_ =	shalt  }
0x43: {  	_ =	shalt  }
0x44: {  	_ =	shalt  }
0x45: {  	_ =	shalt  }
0x46: {  	_ =	shalt  }
0x47: {  	_ =	shalt  }
0x48: {  	_ =	shalt  }
0x49: {  	_ =	shalt  }
0x4a: {  	_ =	shalt  }
0x4b: {  	_ =	shalt  }
0x4c: {  	_ =	shalt  }
0x4d: {  	_ =	shalt  }
0x4e: {  	_ =	shalt  }
0x4f: {  	_ =	shalt  }
0x50: {  	_ =	shalt  }
0x51: {  	_ =	shalt  }
0x52: {  	_ =	shalt  }
0x53: {  	_ =	shalt  }
0x54: {  	_ =	shalt  }
0x55: {  	_ =	shalt  }
0x56: {  	_ =	shalt  }
0x57: {  	_ =	shalt  }
0x58: {  	_ =	shalt  }
0x59: {  	_ =	shalt  }
0x5a: {  	_ =	shalt  }
0x5b: {  	_ =	shalt  }
0x5c: {  	_ =	shalt  }
0x5d: {  	_ =	shalt  }
0x5e: {  	_ =	shalt  }
0x5f: {  	_ =	shalt  }
0x60: {  	_ =	shalt  }
0x61: {  	_ =	shalt  }
0x62: {  	_ =	shalt  }
0x63: {  	_ =	shalt  }
0x64: {  	_ =	shalt  }
0x65: {  	_ =	shalt  }
0x66: {  	_ =	shalt  }
0x67: {  	_ =	shalt  }
0x68: {  	_ =	shalt  }
0x69: {  	_ =	shalt  }
0x6a: {  	_ =	shalt  }
0x6b: {  	_ =	shalt  }
0x6c: {  	_ =	shalt  }
0x6d: {  	_ =	shalt  }
0x6e: {  	_ =	shalt  }
0x6f: {  	_ =	shalt  }
0x70: {  	_ =	shalt  }
0x71: {  	_ =	shalt  }
0x72: {  	_ =	shalt  }
0x73: {  	_ =	shalt  }
0x74: {  	_ =	shalt  }
0x75: {  	_ =	shalt  }
0x76: {  	_ =	shalt  }
0x77: {  	_ =	shalt  }
0x78: {  	_ =	shalt  }
0x79: {  	_ =	shalt  }
0x7a: {  	_ =	shalt  }
0x7b: {  	_ =	shalt  }
0x7c: {  	_ =	shalt  }
0x7d: {  	_ =	shalt  }
0x7e: {  	_ =	shalt  }
0x7f: {  	_ =	shalt  }
0x80: {  	_ =	shalt  }
0x81: {  	_ =	shalt  }
0x82: {  	_ =	shalt  }
0x83: {  	_ =	shalt  }
0x84: {  	_ =	shalt  }
0x85: {  	_ =	shalt  }
0x86: {  	_ =	shalt  }
0x87: {  	_ =	shalt  }
.Lfunc_end0:
.L_simem_size_0:
called_computation.2_lowered:
.L_overlay_start_0:
0x88: {  	s2 =	sld [smem:$0x3FD9]  }
0x89: {  	s3 =	sld [smem:$0x3FFE];
	_ =	sdelay $0x1  }
0x8a: {  	s1 =	srdreg.scid  }
0x8b: {  	s0 =	sand.u32 $0x1, s1  }
0x8c: {  	s17 =	sshll.u32 s0, $0xA;
	s2 =	sadd.s32 s3, s2  }
0x8d: {  	s2 =	sadd.s32 s2, s17  }
0x8e: {  	[smem:$0x3FC4] =	sst s2  }
0x8f: {  	_ = 	snop  }
0x90: {  	s18 =	sld [smem:$0x3FC9];
	(tm) =	ssettm $0x1  }
0x91: {  	s19 =	sld [smem:$0x3FFB];
	_ =	sdelay $0x3  }
0x92: {  	_ =	strace s19  }
0x93: {  	s2 =	sld [smem:$0x3FFC];
	_ =	sdelay $0x3  }
0x94: {  	_ =	strace s2  }
0x95: {  	s2 =	sld [smem:$0x3FFD];
	_ =	sdelay $0x3  }
0x96: {  	_ =	strace s2  }
0x97: {  	_ =	strace $0x8FFFFFFF  }
0x98: {  	s20 =	sld [smem:$0x3FDB];
	_ =	sdelay $0x1  }
0x99: {  	s4 =	simm.s32 $_scs_section_size  }
0x9a: {  	s5 =	simm.s32 $_size__tile_overlayer_lowered;
	s6 =	simm.s32 $_tile_overlayer_lowered  }
0x9b: {  	s7 =	simm.s32 $0x1BFF;
	s21 =	sshll.u32 s6, $0x1;
	s4 =	sadd.s32 s4, s20  }
0x9c: {  	s22 =	simm.s32 $0x0;
	s5 =	sshll.u32 s5, $0x1;
	s6 =	sadd.s32 s21, s4  }
0x9d: {  	[timem:s22], [sflag:s7] =	dma.local [hbm:s6], s5  }
0x9e: {  	_ =	swait.ge [sflag:s7], s5  }
0x9f: {  	s5 =	ssub.s32 $0x0, s5;
	[sflag:s7] =	ssyncset.done $0x0  }
0xa0: {  	[sflag:s7] =	ssyncadd.s32 s5;
	_ =	sdelay $0x1  }
0xa1: {  	s23 =	simm.s32 $0x1B8B  }
0xa2: {  	_ =	swait.ge [sflag:s23], $0x1  }
0xa3: {  	[sflag:s23] =	ssyncset.done $0x0  }
0xa4: {  	[sflag:s23] =	ssyncadd.s32 $0xFFFFFFFF  }
0xa5: {  	s5 =	sld [smem:$0x0]  }
0xa6: {  	s6 =	sand.u32 $0xFFFFFFFE, s1  }
0xa7: {  	p0 =	sne.s32 s1, s6  }
0xa8: {  	s6 =	sshll.u32 @p0 s6, $0xE  }
0xa9: {  	s6 =	sadd.s32 @p0 $0x11B8D, s6;
	s7 =	sshll.u32 @p0 s5, $0x11  }
0xaa: {  	s6 =	sor.u32 @p0 s7, s6  }
0xab: {  	[sflag:s6] =	ssyncadd.remote.s32 @p0 $0x1;
	_ =	sdelay $0x1  }
0xac: {  	s6 =	simm.s32 @p0 $0x1B8D  }
0xad: {  	_ =	swait.eq @p0 [sflag:s6], $0x1  }
0xae: {  	[sflag:s6] =	ssyncadd.s32 @p0 $0xFFFFFFFF  }
0xaf: {  	s7 =	sshll.u32 @!p0 s1, $0xE  }
0xb0: {  	s7 =	sor.u32 @!p0 $0x4000, s7;
	s6 =	simm.s32 @!p0 $0x1B8D  }
0xb1: {  	s5 =	sshll.u32 @!p0 s5, $0x11;
	s7 =	sadd.s32 @!p0 $0x11B8D, s7;
	_ =	swait.eq @!p0 [sflag:s6], $0x1  }
0xb2: {  	s5 =	sor.u32 @!p0 s5, s7;
	[sflag:s6] =	ssyncadd.s32 @!p0 $0xFFFFFFFF  }
0xb3: {  	s25 =	simm.s32 $0x1B8E;
	s24 =	sld [smem:$0x3FFE];
	[sflag:s5] =	ssyncadd.remote.s32 @!p0 $0x1  }
0xb4: {  	s26 =	simm.s32 $execute0_lowered;
	[smem:$0x3FD2] =	sst s25  }
0xb5: {  	s6 =	sshll.u32 s26, $0x1;
	_ =	strace $0x8000004C;
	[dreg:$0x1] =	wrdreg $0xFFFFFFFF  }
0xb6: {  	s28 =	simm.s32 $_size_execute0_lowered;
	s4 =	sadd.s32 s4, s6;
	[dreg:$0x0] =	wrdreg $0x0  }
0xb7: {  	s6 =	sshll.u32 s28, $0x1;
	[dreg:$0x2] =	wrdreg s4  }
0xb8: {  	[dreg:$0x3] =	wrdreg s6  }
0xb9: {  	[dreg:$0x4] =	wrdreg $0xC0  }
0xba: {  	_ =	task [dreg:s22], $0x5FFFF  }
0xbb: {  	[dreg:$0x1] =	wrdreg $0xFFFFFFFF  }
0xbc: {  	[dreg:$0x0] =	wrdreg $0x60  }
0xbd: {  	[dreg:$0x2] =	wrdreg s18  }
0xbe: {  	[dreg:$0x3] =	wrdreg s24  }
0xbf: {  	[dreg:$0x4] =	wrdreg $0xA  }
0xc0: {  	_ =	task.clear_ibuf [dreg:s22], $0x5FFFF;
	_ =	strace $0x9000004C  }
0xc1: {  	s29 =	simm.s32 $0xA;
	_ =	strace $0x8000004E  }
0xc2: {  	_ =	swait.ge [sflag:s29], $0x1  }
0xc3: {  	[sflag:s29] =	ssyncadd.s32 $0xFFFFFFFF  }
0xc4: {  	_ =	strace $0x9000004E  }
0xc5: {  	_ =	sfence  }
0xc6: {  	s30 =	sld [smem:$0x0];
	_ =	sdelay $0x2  }
0xc7: {  	s31 =	sshll.u32 s1, $0xD;
	s1 =	sshrl.u32 s1, $0x2  }
0xc8: {  	s4 =	sand.u32 $0x4000, s31;
	s1 =	sadd.s32 s1, s30  }
0xc9: {  	s0 =	sor.u32 s4, s0;
	s1 =	sshll.u32 s1, $0x11  }
0xca: {  	s0 =	sor.u32 s1, s0  }
0xcb: {  	s0 =	sadd.s32 $0x8F2B, s0  }
0xcc: {  	[sflag:s0] =	ssyncadd.remote.s32 $0x1  }
0xcd: {  	_ =	sfence.sel $0xFFFF  }
0xce: {  	[dreg:$0x0] =	wrdreg $0xFFFFFFFF;
	(pc) =	sbr.abs _section_cstart, $3  }
0xcf: {  	[dreg:$0x1] =	wrdreg $0xFFFFFFFF  }
0xd0: {  	_ =	task.clear_ibuf [dreg:s22], $0x2FFFF;
	_ =	strace $0x9FFFFFFF  }
0xd1: {  	(tm) =	ssettm $0x7FFFFFFF  }
tec
execute0_lowered:
.L_overlay_start_1:
0x0: {  	(tag) =	ssettag $0x1  }
0x1: {  	s1 =	srdreg.scid;
	s0 =	stileid.u32  }
0x2: {  	s2 =	rddreg [dreg:$0x0];
	s16 =	sand.u32 $0x1, s1;
	s30 =	sshll.u32 s0, $0x1  }
0x3: {  	s18 =	rddreg [dreg:$0x1];
	s19 =	sor.u32 s16, s30  }
0x4: {  	s3 =	simm.s32 $0x0;
	s1 =	rddreg [dreg:$0x2];
	s4 =	sshll.u32 s19, $0x1  }
0x5: {  	[smem:$0x7FF] =	sst s3;
	s4 =	sadd.s32 s4, s18  }
0x6: {  	_ =	strace $0x8000004D;
	s5 =	sadd.s32 $0x2000, s4;
	s4 =	simm.s32 $0x2  }
0x7: {  	[tilespmem:s3], [sflag:$0x2] =	stream.linear.gather [hbm4b:s5+s3], $0x10, $0x38;
	[tilespmem:$0x4080] =	vst v63  }
0x8: {  	_ =	swait.ge [sflag:s4], $0x10  }
0x9: {  	[sflag:s4] =	ssyncset.done $0x0  }
0xa: {  	[sflag:s4] =	ssyncadd.s32 $0xFFFFFFF0  }
0xb: {  	v0 =	vld [tilespmem:$0x0];
	_ =	sdelay $0x4  }
0xc: {  	v1 =	vshll.u32 v0, $0x3  }
0xd: {  	v2 =	vlaneseq.u32;
	v3 =	vand.u32 $0x7, v0;
	v1 =	vand.u32 $0xFFFFFFC0, v1  }
0xe: {  	v4 =	vshrl.u32 v2, $0x3;
	v0 =	vand.u32 $0x7, v2;
	v3 =	vor.u32 v3, v1  }
0xf: {  	v1 =	vmul.u32 $0x8, v4;
	v63 =	vperm.xlane v3, v0;
	_ =	sdelay $0x1  }
0x10: {  	v4 =	vadd.s32 v1, v63;
	_ =	sdelay $0x3  }
0x11: {  	vm0 =	vmmov $0xffff;
	s6 =	simm.s32 $0x80  }
0x12: {  	v2 =	vor.u32 $0x8, v2;
	[tilespmem:s6], [sflag:$0x1] =	stream.indirect_vreg.gather [hbm4b:s2+s3], $0x80, v4, vm0, $0xb8;
	[tilespmem:$0x4080] =	vst v63  }
0x13: {  	s8 =	simm.s32 $0x880;
	s7 =	sadd.s32 $0x100, s2;
	v3 =	vperm.xlane v3, v2  }
0x14: {  	[tilespmem:s8], [sflag:$0x1] =	stream.indirect_vreg.gather [hbm4b:s7+s3], $0x80, v4, vm0, $0xb8;
	[tilespmem:$0x4080] =	vst v63  }
0x15: {  	s10 =	simm.s32 $0x1080;
	s9 =	sadd.s32 $0x200, s2;
	v3 =	vadd.s32 v1, v3  }
0x16: {  	[tilespmem:s10], [sflag:$0x1] =	stream.indirect_vreg.gather [hbm4b:s9+s3], $0x80, v4, vm0, $0xb8;
	[tilespmem:$0x4080] =	vst v63  }
0x17: {  	s12 =	simm.s32 $0x1880;
	s11 =	sadd.s32 $0x300, s2  }
0x18: {  	[tilespmem:s12], [sflag:$0x1] =	stream.indirect_vreg.gather [hbm4b:s11+s3], $0x80, v4, vm0, $0xb8;
	[tilespmem:$0x4080] =	vst v63  }
0x19: {  	s13 =	simm.s32 $0x2080;
	s20 =	ssub.s32 $0x2, s16  }
0x1a: {  	[tilespmem:s13], [sflag:$0x1] =	stream.indirect_vreg.gather [hbm4b:s2+s3], $0x80, v3, vm0, $0xb8;
	[tilespmem:$0x4080] =	vst v63  }
0x1b: {  	s14 =	simm.s32 $0x2880;
	s15 =	simm.s32 $0x3080;
	s21 =	sshrl.u32 s20, $0x1  }
0x1c: {  	[tilespmem:s14], [sflag:$0x1] =	stream.indirect_vreg.gather [hbm4b:s7+s3], $0x80, v3, vm0, $0xb8;
	[tilespmem:$0x4080] =	vst v63  }
0x1d: {  	s17 =	simm.s32 $0x1;
	s19 =	sshll.u32 s19, $0xB;
	s31 =	ssub.s32 s20, s21  }
0x1e: {  	[tilespmem:s15], [sflag:$0x1] =	stream.indirect_vreg.gather [hbm4b:s9+s3], $0x80, v3, vm0, $0xb8;
	[tilespmem:$0x4080] =	vst v63  }
0x1f: {  	s16 =	simm.s32 $0x3880;
	s18 =	sadd.s32 s19, s18;
	s19 =	smax.u32 s31, $0x1  }
0x20: {  	[tilespmem:s16], [sflag:$0x1] =	stream.indirect_vreg.gather [hbm4b:s11+s3], $0x80, v3, vm0, $0xb8;
	[tilespmem:$0x4080] =	vst v63  }
0x21: {  	p0 =	sne.s32 s19, $0x1;
	_ =	swait.ge [sflag:s17], $0x4000  }
.Ltmp0:
0x22: {  	[sflag:s17] =	ssyncset.done $0x0;
	(pc) =	sbr.rel @!p0 .LBB2_2-.Ltmp0, $4  }
0x23: {  	s18 =	sadd.s32 $0x22400, s18;
	[sflag:s17] =	ssyncadd.s32 $0xFFFFC000  }
0x24: {  	[hbm4b:s18+s3] =	stream.linear.scatter [tilespmem:s6], [sflag:$0x2], $0x4000, $0x38;
	[tilespmem:$0x4080] =	vst v63  }
0x25: {  	_ =	swait.ge [sflag:s4], $0x4000  }
0x26: {  	s19 =	sadd.s32 $0xFFFFFFFF, s19;
	[sflag:s4] =	ssyncset.done $0x0  }
.LBB2_1:
0x27: {  	p0 =	sne.s32 s19, $0x1;
	s19 =	sadd.s32 $0xFFFFFFFF, s19;
	[sflag:s4] =	ssyncadd.s32 $0xFFFFC000  }
0x28: {  	[tilespmem:s3], [sflag:$0x2] =	stream.linear.gather [hbm4b:s5+s3], $0x10, $0x38;
	[tilespmem:$0x4080] =	vst v63  }
0x29: {  	_ =	swait.ge [sflag:s4], $0x10  }
0x2a: {  	[sflag:s4] =	ssyncset.done $0x0  }
0x2b: {  	[sflag:s4] =	ssyncadd.s32 $0xFFFFFFF0  }
0x2c: {  	v3 =	vld [tilespmem:$0x0];
	_ =	sdelay $0x4  }
0x2d: {  	v4 =	vshll.u32 v3, $0x3  }
0x2e: {  	v3 =	vand.u32 $0x7, v3;
	v4 =	vand.u32 $0xFFFFFFC0, v4  }
0x2f: {  	v3 =	vor.u32 v3, v4  }
0x30: {  	v4 =	vperm.xlane v3, v0;
	v3 =	vperm.xlane v3, v2;
	_ =	sdelay $0x1  }
0x31: {  	v4 =	vadd.s32 v1, v4;
	_ =	sdelay $0x4  }
0x32: {  	[tilespmem:s6], [sflag:$0x1] =	stream.indirect_vreg.gather [hbm4b:s2+s3], $0x80, v4, vm0, $0xb8;
	[tilespmem:$0x4080] =	vst v63  }
0x33: {  	_ = 	snop  }
0x34: {  	[tilespmem:s8], [sflag:$0x1] =	stream.indirect_vreg.gather [hbm4b:s7+s3], $0x80, v4, vm0, $0xb8;
	[tilespmem:$0x4080] =	vst v63  }
0x35: {  	v3 =	vadd.s32 v1, v3  }
0x36: {  	[tilespmem:s10], [sflag:$0x1] =	stream.indirect_vreg.gather [hbm4b:s9+s3], $0x80, v4, vm0, $0xb8;
	[tilespmem:$0x4080] =	vst v63  }
0x37: {  	_ = 	snop  }
0x38: {  	[tilespmem:s12], [sflag:$0x1] =	stream.indirect_vreg.gather [hbm4b:s11+s3], $0x80, v4, vm0, $0xb8;
	[tilespmem:$0x4080] =	vst v63  }
0x39: {  	_ = 	snop  }
0x3a: {  	[tilespmem:s13], [sflag:$0x1] =	stream.indirect_vreg.gather [hbm4b:s2+s3], $0x80, v3, vm0, $0xb8;
	[tilespmem:$0x4080] =	vst v63  }
0x3b: {  	_ = 	snop  }
0x3c: {  	[tilespmem:s14], [sflag:$0x1] =	stream.indirect_vreg.gather [hbm4b:s7+s3], $0x80, v3, vm0, $0xb8;
	[tilespmem:$0x4080] =	vst v63  }
0x3d: {  	_ = 	snop  }
0x3e: {  	[tilespmem:s15], [sflag:$0x1] =	stream.indirect_vreg.gather [hbm4b:s9+s3], $0x80, v3, vm0, $0xb8;
	[tilespmem:$0x4080] =	vst v63  }
0x3f: {  	_ = 	snop  }
0x40: {  	[tilespmem:s16], [sflag:$0x1] =	stream.indirect_vreg.gather [hbm4b:s11+s3], $0x80, v3, vm0, $0xb8;
	[tilespmem:$0x4080] =	vst v63  }
0x41: {  	_ =	swait.ge [sflag:s17], $0x4000  }
.Ltmp1:
0x42: {  	[sflag:s17] =	ssyncset.done $0x0;
	(pc) =	sbr.rel @p0 .LBB2_1-.Ltmp1, $4  }
0x43: {  	[sflag:s17] =	ssyncadd.s32 $0xFFFFC000  }
0x44: {  	[hbm4b:s18+s3] =	stream.linear.scatter [tilespmem:s6], [sflag:$0x2], $0x4000, $0x38;
	[tilespmem:$0x4080] =	vst v63  }
0x45: {  	_ =	swait.ge [sflag:s4], $0x4000  }
0x46: {  	[sflag:s4] =	ssyncset.done $0x0  }
.LBB2_2:
0x47: {  	[sflag:s4] =	ssyncadd.s32 $0xFFFFC000  }
0x48: {  	_ =	sfence.sel $0x180000  }
0x49: {  	[bflag:$0x0] =	sbarrier.arrive $0xFFFF  }
0x4a: {  	p0 =	sne.s32 s0, $0x0;
	_ =	strace $0x9000004D  }
0x4b: {  	s0 =	sadd.s32 @!p0 $0x100000, s1;
	[bflag:$0x2] =	sbarrier.arrive $0xFFFF  }
0x4c: {  	[sflag:s0] =	ssyncadd.tile.s32 @!p0 $0x1;
	_ =	shalt  }
.Lfunc_end2:
_tile_overlayer_lowered:
.L_overlay_start_2:
0x4d: {  	(tag) =	ssettag $0x2  }
0x4e: {  	s0 =	rddreg [dreg:$0x0];
	s2 =	stileid.u32  }
0x4f: {  	s1 =	rddreg [dreg:$0x1];
	p0 =	sne.s32 s2, $0x0  }
0x50: {  	s3 =	rddreg [dreg:$0x2];
	[bflag:$0x3] =	sbarrier.arrive $0xFFFF;
	s2 =	simm.s32 @!p0 $0x1C02  }
0x51: {  	[timem:s3], [sflag:s2] =	dma.local @!p0 [hbm:s0], s1  }
0x52: {  	s0 =	simm.s32 @!p0 $0x2  }
0x53: {  	_ =	swait.ge @!p0 [sflag:s0], s1  }
0x54: {  	s1 =	ssub.s32 @!p0 $0x0, s1;
	[sflag:s0] =	ssyncset.done @!p0 $0x0  }
0x55: {  	[sflag:s0] =	ssyncadd.s32 @!p0 s1  }
0x56: {  	[bflag:$0x3] =	sbarrier.arrive $0xFFFF  }
0x57: {  	_ =	shalt  }

// kernel: kernel.7.cloned.1.call-start
scs
__scs_entry_jumppad:
0x0: {  	(pc) =	sbr.rel $0x88, $3  }
0x1: {  	(tag) =	ssettag $0x0;
	lr =	simm.s32 $0x1  }
0x2: {  	[smem:$0x3F9D] =	sst lr;
	_ =	strace $0xD0000000  }
0x3: {  	_ = 	snop  }
0x4: {  	_ = 	snop  }
0x5: {  	_ = 	snop  }
0x6: {  	_ = 	snop  }
0x7: {  	_ = 	snop  }
__scs_overlays_trampoline_lowered:
0x8: {  	[smem:$0x3FAC] =	sst s0  }
0x9: {  	[smem:$0x3FAD] =	sst s1  }
0xa: {  	[smem:$0x3FAE] =	sst s2  }
0xb: {  	[smem:$0x3FAF] =	sst s3  }
0xc: {  	[smem:$0x3FB0] =	sst s4  }
0xd: {  	[smem:$0x3FB1] =	sst s5  }
0xe: {  	[smem:$0x3FB2] =	sst s6  }
0xf: {  	[smem:$0x3FB3] =	sst s7  }
0x10: {  	[smem:$0x3FB4] =	sst s8  }
0x11: {  	[smem:$0x3FB5] =	sst s9;
	s0 =	simm.s32 @!p0 $0x0  }
0x12: {  	s1 =	sld [smem:$0x3F9B];
	s0 =	simm.s32 @p0 $0x1  }
0x13: {  	[smem:$0x3FB6] =	sst s0;
	s0 =	simm.s32 @!p1 $0x0  }
0x14: {  	s2 =	sld [smem:$0x3F9A];
	s0 =	simm.s32 @p1 $0x1  }
0x15: {  	[smem:$0x3FB7] =	sst s0;
	s0 =	simm.s32 @!p2 $0x0  }
0x16: {  	s3 =	sld [smem:$0x3FDB];
	s0 =	simm.s32 @p2 $0x1  }
0x17: {  	s4 =	simm.s32 $0x1BF5;
	[smem:$0x3FB9] =	sst s0  }
0x18: {  	s0 =	sld [smem:$0x3F9C];
	_ =	swait.ge [sflag:s4], $0x0  }
0x19: {  	s7 =	sld [smem:$0x3F9D]  }
0x1a: {  	s8 =	sadd.s32 $0xFFFFE003, lr  }
0x1b: {  	s9 =	sadd.s32 $0xFFFFFEF7, lr;
	s5 =	simm.s32 $0xFFFFFFFF;
	p2 =	slt.u32 s8, $0xFFFFF086  }
0x1c: {  	p1 =	slt.u32 s9, $0xF7A;
	s5 =	simm.s32 @!p2 $0x0  }
0x1d: {  	s5 =	simm.s32 @p1 $0x1;
	p0 =	seq.s32 s7, s2  }
0x1e: {  	s7 =	smul.u32 @!p0 $0xF7A, s2;
	p2 =	seq.s32 @!p0 s5, $0x0  }
0x1f: {  	s9 =	smul.u32 $0xF7A, s1;
	s8 =	simm.s32 @!p0 $0x1BF5;
	p2 =	por !p2, p0  }
0x20: {  	[sflag:s8] =	ssyncset.s32 @!p0 $0xFFFFF086;
	s6 =	sadd.s32 @!p0 s3, s7;
	s7 =	simm.s32 @!p0 $0x108  }
0x21: {  	s3 =	sadd.s32 s3, s9;
	s6 =	sadd.s32 @!p0 $0x88, s6;
	s7 =	simm.s32 @p2 $0x1082  }
0x22: {  	[simem:s7], [sflag:s8] =	dma.local @!p0 [hbm:s6], $0xF7A  }
0x23: {  	s9 =	sor.u32 $0xD0000000, s2;
	s6 =	simm.s32 $0x108;
	_ =	swait.ge @!p0 [sflag:s8], $0x0  }
0x24: {  	s3 =	sadd.s32 $0x88, s3;
	s6 =	simm.s32 @!p1 $0x1082;
	[sflag:s4] =	ssyncset.s32 $0xFFFFF086  }
0x25: {  	[simem:s6], [sflag:s4] =	dma.local [hbm:s3], $0xF7A  }
0x26: {  	[smem:$0x3F9D] =	sst s1;
	(tag) =	ssettag s2;
	_ =	strace s9  }
0x27: {  	s1 =	sld [smem:$0x3FAD]  }
0x28: {  	s2 =	sld [smem:$0x3FAE]  }
0x29: {  	s4 =	sld [smem:$0x3FB0]  }
0x2a: {  	p0 =	seq.s32 s5, $0x0;
	s5 =	sld [smem:$0x3FB1]  }
0x2b: {  	s6 =	sld [smem:$0x3FB2]  }
0x2c: {  	s7 =	sld [smem:$0x3FB3]  }
0x2d: {  	s3 =	simm.s32 $0x108;
	s8 =	sld [smem:$0x3FB4]  }
0x2e: {  	s3 =	simm.s32 @!p0 $0x1082;
	s9 =	sld [smem:$0x3FB5]  }
0x2f: {  	lr =	sadd.s32 s0, s3;
	s0 =	sld [smem:$0x3FAC]  }
0x30: {  	s3 =	sld [smem:$0x3FAF]  }
0x31: {  	[smem:$0x3FB8] =	sst s10  }
0x32: {  	s10 =	sld [smem:$0x3FB6];
	_ =	sdelay $0x3  }
0x33: {  	p0 =	seq.s32 s10, $0x1;
	s10 =	sld [smem:$0x3FB8];
	_ =	sdelay $0x3  }
0x34: {  	[smem:$0x3FB8] =	sst s10  }
0x35: {  	s10 =	sld [smem:$0x3FB7];
	_ =	sdelay $0x3  }
0x36: {  	p1 =	seq.s32 s10, $0x1;
	s10 =	sld [smem:$0x3FB8];
	_ =	sdelay $0x3  }
0x37: {  	[smem:$0x3FB8] =	sst s10  }
0x38: {  	s10 =	sld [smem:$0x3FB9]  }
0x39: {  	_ = 	snop;
	(pc) =	sbr.ind lr, $3  }
0x3a: {  	_ = 	snop  }
0x3b: {  	_ = 	snop  }
0x3c: {  	p2 =	seq.s32 s10, $0x1;
	s10 =	sld [smem:$0x3FB8]  }
0x3d: {  	_ =	shalt  }
0x3e: {  	_ =	shalt  }
0x3f: {  	_ =	shalt  }
0x40: {  	_ =	shalt  }
0x41: {  	_ =	shalt  }
0x42: {  	_ =	shalt  }
0x43: {  	_ =	shalt  }
0x44: {  	_ =	shalt  }
0x45: {  	_ =	shalt  }
0x46: {  	_ =	shalt  }
0x47: {  	_ =	shalt  }
0x48: {  	_ =	shalt  }
0x49: {  	_ =	shalt  }
0x4a: {  	_ =	shalt  }
0x4b: {  	_ =	shalt  }
0x4c: {  	_ =	shalt  }
0x4d: {  	_ =	shalt  }
0x4e: {  	_ =	shalt  }
0x4f: {  	_ =	shalt  }
0x50: {  	_ =	shalt  }
0x51: {  	_ =	shalt  }
0x52: {  	_ =	shalt  }
0x53: {  	_ =	shalt  }
0x54: {  	_ =	shalt  }
0x55: {  	_ =	shalt  }
0x56: {  	_ =	shalt  }
0x57: {  	_ =	shalt  }
0x58: {  	_ =	shalt  }
0x59: {  	_ =	shalt  }
0x5a: {  	_ =	shalt  }
0x5b: {  	_ =	shalt  }
0x5c: {  	_ =	shalt  }
0x5d: {  	_ =	shalt  }
0x5e: {  	_ =	shalt  }
0x5f: {  	_ =	shalt  }
0x60: {  	_ =	shalt  }
0x61: {  	_ =	shalt  }
0x62: {  	_ =	shalt  }
0x63: {  	_ =	shalt  }
0x64: {  	_ =	shalt  }
0x65: {  	_ =	shalt  }
0x66: {  	_ =	shalt  }
0x67: {  	_ =	shalt  }
0x68: {  	_ =	shalt  }
0x69: {  	_ =	shalt  }
0x6a: {  	_ =	shalt  }
0x6b: {  	_ =	shalt  }
0x6c: {  	_ =	shalt  }
0x6d: {  	_ =	shalt  }
0x6e: {  	_ =	shalt  }
0x6f: {  	_ =	shalt  }
0x70: {  	_ =	shalt  }
0x71: {  	_ =	shalt  }
0x72: {  	_ =	shalt  }
0x73: {  	_ =	shalt  }
0x74: {  	_ =	shalt  }
0x75: {  	_ =	shalt  }
0x76: {  	_ =	shalt  }
0x77: {  	_ =	shalt  }
0x78: {  	_ =	shalt  }
0x79: {  	_ =	shalt  }
0x7a: {  	_ =	shalt  }
0x7b: {  	_ =	shalt  }
0x7c: {  	_ =	shalt  }
0x7d: {  	_ =	shalt  }
0x7e: {  	_ =	shalt  }
0x7f: {  	_ =	shalt  }
0x80: {  	_ =	shalt  }
0x81: {  	_ =	shalt  }
0x82: {  	_ =	shalt  }
0x83: {  	_ =	shalt  }
0x84: {  	_ =	shalt  }
0x85: {  	_ =	shalt  }
0x86: {  	_ =	shalt  }
0x87: {  	_ =	shalt  }
.Lfunc_end0:
.L_simem_size_0:
called_computation_lowered:
.L_overlay_start_0:
0x88: {  	s2 =	sld [smem:$0x3FD9]  }
0x89: {  	s3 =	sld [smem:$0x3FFE];
	_ =	sdelay $0x1  }
0x8a: {  	s1 =	srdreg.scid  }
0x8b: {  	s0 =	sand.u32 $0x1, s1  }
0x8c: {  	s17 =	sshll.u32 s0, $0xA;
	s2 =	sadd.s32 s3, s2  }
0x8d: {  	s2 =	sadd.s32 s2, s17  }
0x8e: {  	[smem:$0x3FC4] =	sst s2  }
0x8f: {  	_ = 	snop  }
0x90: {  	s2 =	sld [smem:$0x3FC9]  }
0x91: {  	s18 =	sld [smem:$0x3FD0];
	(tm) =	ssettm $0x1  }
0x92: {  	s4 =	sld [smem:$0x3FFB];
	_ =	sdelay $0x3  }
0x93: {  	_ =	strace s4  }
0x94: {  	s4 =	sld [smem:$0x3FFC];
	_ =	sdelay $0x3  }
0x95: {  	_ =	strace s4  }
0x96: {  	s4 =	sld [smem:$0x3FFD];
	_ =	sdelay $0x3  }
0x97: {  	_ =	strace s4  }
0x98: {  	_ =	strace $0x8FFFFFFF  }
0x99: {  	s19 =	sld [smem:$0x3FDB];
	_ =	sdelay $0x1  }
0x9a: {  	s5 =	simm.s32 $_scs_section_size  }
0x9b: {  	s6 =	simm.s32 $_size__tile_overlayer_lowered;
	s7 =	simm.s32 $_tile_overlayer_lowered  }
0x9c: {  	s22 =	simm.s32 $0x1BFF;
	s21 =	sshll.u32 s7, $0x1;
	s4 =	sadd.s32 s5, s19  }
0x9d: {  	s8 =	simm.s32 $0x0;
	s20 =	sshll.u32 s6, $0x1;
	s6 =	sadd.s32 s21, s4  }
0x9e: {  	[timem:s8], [sflag:s22] =	dma.local [hbm:s6], s20  }
0x9f: {  	_ =	swait.ge [sflag:s22], s20  }
0xa0: {  	s5 =	ssub.s32 $0x0, s20;
	[sflag:s22] =	ssyncset.done $0x0  }
0xa1: {  	[sflag:s22] =	ssyncadd.s32 s5;
	_ =	sdelay $0x1  }
0xa2: {  	s23 =	simm.s32 $0x1B8B  }
0xa3: {  	_ =	swait.ge [sflag:s23], $0x1  }
0xa4: {  	[sflag:s23] =	ssyncset.done $0x0  }
0xa5: {  	s25 =	simm.s32 $0x1B8E;
	s24 =	sld [smem:$0x3FFE];
	[sflag:s23] =	ssyncadd.s32 $0xFFFFFFFF  }
0xa6: {  	s26 =	simm.s32 $execute0_lowered;
	[smem:$0x3FD2] =	sst s25  }
0xa7: {  	s6 =	sshll.u32 s26, $0x1;
	_ =	strace $0x80000046;
	[dreg:$0x1] =	wrdreg $0xFFFFFFFF  }
0xa8: {  	s28 =	simm.s32 $_size_execute0_lowered;
	s4 =	sadd.s32 s4, s6;
	[dreg:$0x0] =	wrdreg $0x0  }
0xa9: {  	s6 =	sshll.u32 s28, $0x1;
	[dreg:$0x2] =	wrdreg s4  }
0xaa: {  	[dreg:$0x3] =	wrdreg s6  }
0xab: {  	[dreg:$0x4] =	wrdreg $0xC0  }
0xac: {  	_ =	task [dreg:s8], $0x5FFFF  }
0xad: {  	[dreg:$0x1] =	wrdreg $0xFFFFFFFF  }
0xae: {  	[dreg:$0x0] =	wrdreg $0x60  }
0xaf: {  	[dreg:$0x2] =	wrdreg s2  }
0xb0: {  	[dreg:$0x3] =	wrdreg s18  }
0xb1: {  	[dreg:$0x4] =	wrdreg s24  }
0xb2: {  	[dreg:$0x5] =	wrdreg $0xA  }
0xb3: {  	_ =	task.clear_ibuf [dreg:s8], $0x6FFFF;
	_ =	strace $0x90000046  }
0xb4: {  	s29 =	simm.s32 $0xA;
	_ =	strace $0x80000048  }
0xb5: {  	_ =	swait.ge [sflag:s29], $0x1  }
0xb6: {  	[sflag:s29] =	ssyncadd.s32 $0xFFFFFFFF  }
0xb7: {  	_ =	strace $0x90000048  }
0xb8: {  	_ =	sfence  }
0xb9: {  	s30 =	sld [smem:$0x0];
	_ =	sdelay $0x2  }
0xba: {  	s31 =	sshll.u32 s1, $0xD;
	s1 =	sshrl.u32 s1, $0x2  }
0xbb: {  	s3 =	sand.u32 $0x4000, s31;
	s1 =	sadd.s32 s1, s30  }
0xbc: {  	s0 =	sor.u32 s3, s0;
	s1 =	sshll.u32 s1, $0x11  }
0xbd: {  	s0 =	sor.u32 s1, s0  }
0xbe: {  	s0 =	sadd.s32 $0x8F2B, s0  }
0xbf: {  	[sflag:s0] =	ssyncadd.remote.s32 $0x1  }
0xc0: {  	_ =	sfence.sel $0xFFFF  }
0xc1: {  	[dreg:$0x0] =	wrdreg $0xFFFFFFFF;
	(pc) =	sbr.abs _section_cstart, $3  }
0xc2: {  	[dreg:$0x1] =	wrdreg $0xFFFFFFFF  }
0xc3: {  	_ =	task.clear_ibuf [dreg:s8], $0x2FFFF;
	_ =	strace $0x9FFFFFFF  }
0xc4: {  	(tm) =	ssettm $0x7FFFFFFF  }
0xc5: {  	_ =	shalt  }
tec
execute0_lowered:
.L_overlay_start_1:
0x0: {  	(tag) =	ssettag $0x1  }
0x1: {  	s1 =	stileid.u32  }
0x2: {  	p0 =	sgt.u32 s1, $0x7  }
.Ltmp0:
0x3: {  	s2 =	rddreg [dreg:$0x0];
	(pc) =	sbr.rel @p0 .LBB2_4-.Ltmp0, $4  }
0x4: {  	s4 =	rddreg [dreg:$0x1]  }
0x5: {  	s14 =	rddreg [dreg:$0x2];
	s3 =	simm.s32 $0x0  }
0x6: {  	[smem:$0x7FF] =	sst s3  }
0x7: {  	s0 =	rddreg [dreg:$0x3];
	_ =	strace $0x80000047  }
0x8: {  	s5 =	srdreg.scid  }
0x9: {  	s30 =	sshll.u32 s1, $0x1;
	s12 =	sand.u32 $0x1, s5  }
0xa: {  	s15 =	sor.u32 s12, s30  }
0xb: {  	s5 =	sadd.s32 s4, s15;
	s4 =	simm.s32 $0x2  }
0xc: {  	[tilespmem:s3], [sflag:$0x2] =	stream.linear.gather [hbm4b:s5+s3], $0x8, $0x38;
	[tilespmem:$0x2080] =	vst v63  }
0xd: {  	_ =	swait.ge [sflag:s4], $0x8  }
0xe: {  	[sflag:s4] =	ssyncset.done $0x0  }
0xf: {  	[sflag:s4] =	ssyncadd.s32 $0xFFFFFFF8  }
0x10: {  	v0 =	vld.msk [tilespmem:$0x0], $0xff;
	_ =	sdelay $0x4  }
0x11: {  	v1 =	vshll.u32 v0, $0x3  }
0x12: {  	v2 =	vlaneseq.u32;
	v3 =	vand.u32 $0x7, v0;
	v1 =	vand.u32 $0xFFFFFFC0, v1  }
0x13: {  	v0 =	vand.u32 $0x7, v2;
	v2 =	vshrl.u32 v2, $0x3;
	v3 =	vor.u32 v3, v1  }
0x14: {  	v1 =	vmul.u32 $0x8, v2;
	v2 =	vperm.xlane v3, v0;
	_ =	sdelay $0x1  }
0x15: {  	v2 =	vadd.s32 v1, v2;
	_ =	sdelay $0x2  }
0x16: {  	s6 =	simm.s32 $0x80;
	s7 =	sadd.s32 $0x100, s2  }
0x17: {  	vm0 =	vmmov $0xffff;
	s8 =	simm.s32 $0x880;
	s9 =	sadd.s32 $0x200, s2;
	s16 =	ssub.s32 $0x2, s12  }
0x18: {  	[tilespmem:s6], [sflag:$0x1] =	stream.indirect_vreg.gather [hbm4b:s2+s3], $0x80, v2, vm0, $0xb8;
	[tilespmem:$0x2080] =	vst v63  }
0x19: {  	s10 =	sadd.s32 $0x300, s2;
	s11 =	simm.s32 $0x1080;
	s17 =	sshrl.u32 s16, $0x1  }
0x1a: {  	[tilespmem:s8], [sflag:$0x1] =	stream.indirect_vreg.gather [hbm4b:s7+s3], $0x80, v2, vm0, $0xb8;
	[tilespmem:$0x2080] =	vst v63  }
0x1b: {  	s13 =	simm.s32 $0x1;
	s15 =	sshll.u32 s15, $0xA;
	s31 =	ssub.s32 s16, s17  }
0x1c: {  	[tilespmem:s11], [sflag:$0x1] =	stream.indirect_vreg.gather [hbm4b:s9+s3], $0x80, v2, vm0, $0xb8;
	[tilespmem:$0x2080] =	vst v63  }
0x1d: {  	s12 =	simm.s32 $0x1880;
	s14 =	sadd.s32 s15, s14;
	s15 =	smax.u32 s31, $0x1  }
0x1e: {  	[tilespmem:s12], [sflag:$0x1] =	stream.indirect_vreg.gather [hbm4b:s10+s3], $0x80, v2, vm0, $0xb8;
	[tilespmem:$0x2080] =	vst v63  }
0x1f: {  	p0 =	sne.s32 s15, $0x1;
	_ =	swait.ge [sflag:s13], $0x2000  }
.Ltmp1:
0x20: {  	[sflag:s13] =	ssyncset.done $0x0;
	(pc) =	sbr.rel @!p0 .LBB2_3-.Ltmp1, $4  }
0x21: {  	s14 =	sadd.s32 $0x2000, s14;
	[sflag:s13] =	ssyncadd.s32 $0xFFFFE000  }
0x22: {  	[hbm4b:s14+s3] =	stream.linear.scatter [tilespmem:s6], [sflag:$0x2], $0x2000, $0x38;
	[tilespmem:$0x2080] =	vst v63  }
0x23: {  	_ =	swait.ge [sflag:s4], $0x2000  }
0x24: {  	s15 =	sadd.s32 $0xFFFFFFFF, s15;
	[sflag:s4] =	ssyncset.done $0x0  }
.LBB2_2:
0x25: {  	p0 =	sne.s32 s15, $0x1;
	s15 =	sadd.s32 $0xFFFFFFFF, s15;
	[sflag:s4] =	ssyncadd.s32 $0xFFFFE000  }
0x26: {  	[tilespmem:s3], [sflag:$0x2] =	stream.linear.gather [hbm4b:s5+s3], $0x8, $0x38;
	[tilespmem:$0x2080] =	vst v63  }
0x27: {  	_ =	swait.ge [sflag:s4], $0x8  }
0x28: {  	[sflag:s4] =	ssyncset.done $0x0  }
0x29: {  	[sflag:s4] =	ssyncadd.s32 $0xFFFFFFF8  }
0x2a: {  	v2 =	vld.msk [tilespmem:$0x0], $0xff;
	_ =	sdelay $0x4  }
0x2b: {  	v3 =	vshll.u32 v2, $0x3  }
0x2c: {  	v2 =	vand.u32 $0x7, v2;
	v3 =	vand.u32 $0xFFFFFFC0, v3  }
0x2d: {  	v2 =	vor.u32 v2, v3  }
0x2e: {  	v2 =	vperm.xlane v2, v0;
	_ =	sdelay $0x1  }
0x2f: {  	v2 =	vadd.s32 v1, v2;
	_ =	sdelay $0x4  }
0x30: {  	[tilespmem:s6], [sflag:$0x1] =	stream.indirect_vreg.gather [hbm4b:s2+s3], $0x80, v2, vm0, $0xb8;
	[tilespmem:$0x2080] =	vst v63  }
0x31: {  	_ = 	snop  }
0x32: {  	[tilespmem:s8], [sflag:$0x1] =	stream.indirect_vreg.gather [hbm4b:s7+s3], $0x80, v2, vm0, $0xb8;
	[tilespmem:$0x2080] =	vst v63  }
0x33: {  	_ = 	snop  }
0x34: {  	[tilespmem:s11], [sflag:$0x1] =	stream.indirect_vreg.gather [hbm4b:s9+s3], $0x80, v2, vm0, $0xb8;
	[tilespmem:$0x2080] =	vst v63  }
0x35: {  	_ = 	snop  }
0x36: {  	[tilespmem:s12], [sflag:$0x1] =	stream.indirect_vreg.gather [hbm4b:s10+s3], $0x80, v2, vm0, $0xb8;
	[tilespmem:$0x2080] =	vst v63  }
0x37: {  	_ =	swait.ge [sflag:s13], $0x2000  }
.Ltmp2:
0x38: {  	[sflag:s13] =	ssyncset.done $0x0;
	(pc) =	sbr.rel @p0 .LBB2_2-.Ltmp2, $4  }
0x39: {  	[sflag:s13] =	ssyncadd.s32 $0xFFFFE000  }
0x3a: {  	[hbm4b:s14+s3] =	stream.linear.scatter [tilespmem:s6], [sflag:$0x2], $0x2000, $0x38;
	[tilespmem:$0x2080] =	vst v63  }
0x3b: {  	_ =	swait.ge [sflag:s4], $0x2000  }
0x3c: {  	[sflag:s4] =	ssyncset.done $0x0  }
.LBB2_3:
0x3d: {  	[sflag:s4] =	ssyncadd.s32 $0xFFFFE000  }
.LBB2_4:
0x3e: {  	_ =	sfence.sel $0x180000  }
0x3f: {  	[bflag:$0x0] =	sbarrier.arrive $0xFFFF  }
0x40: {  	p0 =	sne.s32 s1, $0x0;
	_ =	strace $0x90000047  }
0x41: {  	s0 =	sadd.s32 @!p0 $0x100000, s0;
	[bflag:$0x2] =	sbarrier.arrive $0xFFFF  }
0x42: {  	[sflag:s0] =	ssyncadd.tile.s32 @!p0 $0x1;
	_ =	shalt  }
.Lfunc_end2:
_tile_overlayer_lowered:
.L_overlay_start_2:
0x43: {  	(tag) =	ssettag $0x2  }
0x44: {  	s0 =	rddreg [dreg:$0x0];
	s2 =	stileid.u32  }
0x45: {  	s1 =	rddreg [dreg:$0x1];
	p0 =	sne.s32 s2, $0x0  }
0x46: {  	s3 =	rddreg [dreg:$0x2];
	[bflag:$0x3] =	sbarrier.arrive $0xFFFF;
	s2 =	simm.s32 @!p0 $0x1C02  }
0x47: {  	[timem:s3], [sflag:s2] =	dma.local @!p0 [hbm:s0], s1  }
0x48: {  	s0 =	simm.s32 @!p0 $0x2  }
0x49: {  	_ =	swait.ge @!p0 [sflag:s0], s1  }
0x4a: {  	s1 =	ssub.s32 @!p0 $0x0, s1;
	[sflag:s0] =	ssyncset.done @!p0 $0x0  }
0x4b: {  	[sflag:s0] =	ssyncadd.s32 @!p0 s1  }
0x4c: {  	[bflag:$0x3] =	sbarrier.arrive $0xFFFF  }
0x4d: {  	_ =	shalt  }

</sc_bundles>
